<compile_context>
chip_gen: v7x
topology: tpu7x:2x2x1
jax: 0.10.2.dev20260603
libtpu: 0.0.44.dev20260713+nightly
codegen_flags: <defaults>
</compile_context>

<pallas_src>
import functools

import jax
import jax.numpy as jnp
from jax import lax
from jax.experimental import pallas as pl
from jax.experimental.pallas import tpu as pltpu
from jax.experimental.pallas import tpu_sc as plsc

_NC = 2
_NS = 16
_NW = _NC * _NS
_L = 16

_R, _C = 200, 16384
_CW = _C // _NW
_CCH = 128
_NCH = _CW // _CCH
_TBL = 128


@functools.partial(
    pl.kernel,
    mesh=plsc.VectorSubcoreMesh(core_axis_name="c", subcore_axis_name="s"),
    out_type=jax.ShapeDtypeStruct((_R, _C), jnp.int32),
    scratch_types=[
        pltpu.VMEM((_TBL,), jnp.int32),
        pltpu.VMEM((_R, _CCH), jnp.int32),
        pltpu.VMEM((_R, _CCH), jnp.int32),
        pltpu.VMEM((_R, _CCH), jnp.int32),
        pltpu.VMEM((_R, _CCH), jnp.int32),
        pltpu.SemaphoreType.DMA,
        pltpu.SemaphoreType.DMA,
        pltpu.SemaphoreType.DMA,
        pltpu.SemaphoreType.DMA,
        pltpu.SemaphoreType.DMA,
    ],
    compiler_params=pltpu.CompilerParams(needs_layout_passes=False),
)
def _sc_convert(st_hbm, table_hbm, out_hbm, table_v, in_v0, in_v1,
                out_v0, out_v1, in_sem0, in_sem1, out_sem0, out_sem1,
                tbl_sem):
    in_bufs = (in_v0, in_v1)
    out_bufs = (out_v0, out_v1)
    in_sems = (in_sem0, in_sem1)
    out_sems = (out_sem0, out_sem1)
    wid = lax.axis_index("s") * _NC + lax.axis_index("c")
    col0 = wid * _CW

    col_vecs = [jnp.full((_L,), g * _L, jnp.int32) + lax.iota(jnp.int32, _L)
                for g in range(_CCH // _L)]

    in_copies = [None] * _NCH
    out_copies = [None] * _NCH
    in_copies[0] = pltpu.async_copy(
        st_hbm.at[pl.ds(0, _R), pl.ds(col0, _CCH)], in_bufs[0], in_sems[0])
    in_copies[1] = pltpu.async_copy(
        st_hbm.at[pl.ds(0, _R), pl.ds(col0 + _CCH, _CCH)],
        in_bufs[1], in_sems[1])
    tbl_copy = pltpu.async_copy(table_hbm, table_v.at[pl.ds(0, 120)], tbl_sem)
    tbl_copy.wait()

    for ci in range(_NCH):
        slot = ci % 2
        in_copies[ci].wait()
        if ci >= 2:
            out_copies[ci - 2].wait()

        in_b = in_bufs[slot]
        out_b = out_bufs[slot]

        @plsc.parallel_loop(0, _R, 1, unroll=2)
        def _gather(r):
            row_vec = jnp.full((_L,), r, jnp.int32)
            for cv in col_vecs:
                idx = plsc.load_gather(in_b, [row_vec, cv])
                vals = plsc.load_gather(table_v, [idx])
                plsc.store_scatter(out_b, [row_vec, cv], vals)

        if ci + 2 < _NCH:
            in_copies[ci + 2] = pltpu.async_copy(
                st_hbm.at[pl.ds(0, _R), pl.ds(col0 + (ci + 2) * _CCH, _CCH)],
                in_bufs[slot], in_sems[slot])
        out_copies[ci] = pltpu.async_copy(
            out_b, out_hbm.at[pl.ds(0, _R), pl.ds(col0 + ci * _CCH, _CCH)],
            out_sems[slot])

    out_copies[_NCH - 2].wait()
    out_copies[_NCH - 1].wait()


def kernel(species, conv_tensor):
    out_t = _sc_convert(species.T, conv_tensor)
    return out_t.T

# --- scband reference (transcript-rebuilt; emitter-appended) ---
"""Pipeline reference for scband-species-converter-6390911336583 (READ-ONLY COPY).

The authoritative reference and input builder live on the scoring server;
editing this copy changes nothing except your own understanding.
"""

import jax, jax.numpy as jnp
import numpy as np

# SpeciesConverter with species_order = ['H','He','Li','Be','B','C','N','O']
# Periodic-table atomic numbers for these species: H=1, He=2, Li=3, Be=4, B=5, C=6, N=7, O=8.
# maxidx over the full periodic table (through Og) = 118, so conv_tensor has maxidx+2 = 120 entries.
SPECIES_ATOMIC_NUMBERS = [1, 2, 3, 4, 5, 6, 7, 8]
MAXIDX = 118


def _build_conv_tensor():
    conv = -np.ones(MAXIDX + 2, dtype=np.int32)
    for i, z in enumerate(SPECIES_ATOMIC_NUMBERS):
        conv[z] = i
    return jnp.asarray(conv)


def setup_inputs(seed: int = 0) -> dict:
    key = jax.random.key(seed)
    # species: atomic numbers in [0, 9); 0 = padding/dummy (maps to -1), 1..8 map to 0..7
    species = jax.random.randint(key, (16384, 200), 0, 9, dtype=jnp.int32)
    conv_tensor = _build_conv_tensor()
    return {"species": species, "conv_tensor": conv_tensor}


def reference(species, conv_tensor):
    # Faithful translation of forward: converted_species = self.conv_tensor[species]
    # (The original raises ValueError on unknown species; the gather itself is the computation.
    #  Data-dependent raising is not expressible in traced jax, so we return the gather result.)
    converted_species = jnp.take(conv_tensor, species, axis=0)
    return converted_species

if __name__ == "__main__":
    import jax
    _d = setup_inputs()
    print(jax.jit(kernel)(*tuple(_d.values())))

</pallas_src>

<mosaic_0001>
#map = affine_map<(d0, d1) -> (0, 0)>
#map1 = affine_map<(d0, d1) -> (0)>
module attributes {stable_mosaic.version = 14 : i64} {
  func.func @_sc_convert(%arg0: i32, %arg1: i32, %arg2: memref<200x16384xi32, #tpu.memory_space<hbm>>, %arg3: memref<120xi32, #tpu.memory_space<hbm>>, %arg4: memref<200x16384xi32, #tpu.memory_space<hbm>>, %arg5: memref<128xi32, #tpu.memory_space<vmem>>, %arg6: memref<200x128xi32, #tpu.memory_space<vmem>>, %arg7: memref<200x128xi32, #tpu.memory_space<vmem>>, %arg8: memref<200x128xi32, #tpu.memory_space<vmem>>, %arg9: memref<200x128xi32, #tpu.memory_space<vmem>>, %arg10: memref<!tpu.dma_semaphore, #tpu.memory_space<semaphore_mem>>, %arg11: memref<!tpu.dma_semaphore, #tpu.memory_space<semaphore_mem>>, %arg12: memref<!tpu.dma_semaphore, #tpu.memory_space<semaphore_mem>>, %arg13: memref<!tpu.dma_semaphore, #tpu.memory_space<semaphore_mem>>, %arg14: memref<!tpu.dma_semaphore, #tpu.memory_space<semaphore_mem>>) attributes {dimension_semantics = [#tpu.dimension_semantics<core_parallel>, #tpu.dimension_semantics<subcore_parallel>], iteration_bounds = array<i64: 2, 16>, scalar_prefetch = 0 : i64, scratch_operands = 10 : i64, tpu.core_type = #tpu.core_type<sc_vector_subcore>, window_params = [{transform_indices = #map}, {transform_indices = #map1}, {transform_indices = #map}]} {
    %mul3A = arith.constant 2 : i32
    %mul3A_0 = arith.muli %arg1, %mul3A : i32
    %add3A = arith.addi %mul3A_0, %arg0 : i32
    %mul3A_1 = arith.constant 512 : i32
    %mul3A_2 = arith.muli %add3A, %mul3A_1 : i32
    %broadcast_in_dim3A = arith.constant 0 : i32
    %broadcast_in_dim3A_3 = vector.broadcast %broadcast_in_dim3A : i32 to vector<16xi32>
    %iota3A = tpu.iota {dimensions = array<i32: 0>} : vector<16xi32>
    %add3A_4 = arith.addi %broadcast_in_dim3A_3, %iota3A : vector<16xi32>
    %broadcast_in_dim3A_5 = arith.constant 16 : i32
    %broadcast_in_dim3A_6 = vector.broadcast %broadcast_in_dim3A_5 : i32 to vector<16xi32>
    %iota3A_7 = tpu.iota {dimensions = array<i32: 0>} : vector<16xi32>
    %add3A_8 = arith.addi %broadcast_in_dim3A_6, %iota3A_7 : vector<16xi32>
    %broadcast_in_dim3A_9 = arith.constant 32 : i32
    %broadcast_in_dim3A_10 = vector.broadcast %broadcast_in_dim3A_9 : i32 to vector<16xi32>
    %iota3A_11 = tpu.iota {dimensions = array<i32: 0>} : vector<16xi32>
    %add3A_12 = arith.addi %broadcast_in_dim3A_10, %iota3A_11 : vector<16xi32>
    %broadcast_in_dim3A_13 = arith.constant 48 : i32
    %broadcast_in_dim3A_14 = vector.broadcast %broadcast_in_dim3A_13 : i32 to vector<16xi32>
    %iota3A_15 = tpu.iota {dimensions = array<i32: 0>} : vector<16xi32>
    %add3A_16 = arith.addi %broadcast_in_dim3A_14, %iota3A_15 : vector<16xi32>
    %broadcast_in_dim3A_17 = arith.constant 64 : i32
    %broadcast_in_dim3A_18 = vector.broadcast %broadcast_in_dim3A_17 : i32 to vector<16xi32>
    %iota3A_19 = tpu.iota {dimensions = array<i32: 0>} : vector<16xi32>
    %add3A_20 = arith.addi %broadcast_in_dim3A_18, %iota3A_19 : vector<16xi32>
    %broadcast_in_dim3A_21 = arith.constant 80 : i32
    %broadcast_in_dim3A_22 = vector.broadcast %broadcast_in_dim3A_21 : i32 to vector<16xi32>
    %iota3A_23 = tpu.iota {dimensions = array<i32: 0>} : vector<16xi32>
    %add3A_24 = arith.addi %broadcast_in_dim3A_22, %iota3A_23 : vector<16xi32>
    %broadcast_in_dim3A_25 = arith.constant 96 : i32
    %broadcast_in_dim3A_26 = vector.broadcast %broadcast_in_dim3A_25 : i32 to vector<16xi32>
    %iota3A_27 = tpu.iota {dimensions = array<i32: 0>} : vector<16xi32>
    %add3A_28 = arith.addi %broadcast_in_dim3A_26, %iota3A_27 : vector<16xi32>
    %broadcast_in_dim3A_29 = arith.constant 112 : i32
    %broadcast_in_dim3A_30 = vector.broadcast %broadcast_in_dim3A_29 : i32 to vector<16xi32>
    %iota3A_31 = tpu.iota {dimensions = array<i32: 0>} : vector<16xi32>
    %add3A_32 = arith.addi %broadcast_in_dim3A_30, %iota3A_31 : vector<16xi32>
    %dma_start3A = arith.constant 0 : i32
    %dma_start3A_33 = tpu.memref_slice %arg2[%dma_start3A, %mul3A_2] : memref<200x16384xi32, #tpu.memory_space<hbm>> -> memref<200x128xi32, #tpu.memory_space<hbm>>
    %dma_start3A_34 = arith.constant 0 : i32
    %dma_start3A_35 = tpu.memref_slice %arg2[%dma_start3A_34, %mul3A_2] : memref<200x16384xi32, #tpu.memory_space<hbm>> -> memref<200x128xi32, #tpu.memory_space<hbm>>
    tpu.enqueue_dma source(%dma_start3A_35 : memref<200x128xi32, #tpu.memory_space<hbm>>) target(%arg6 : memref<200x128xi32, #tpu.memory_space<vmem>>) target_semaphore(%arg10 : memref<!tpu.dma_semaphore, #tpu.memory_space<semaphore_mem>>)
    %add3A_36 = arith.constant 128 : i32
    %add3A_37 = arith.addi %mul3A_2, %add3A_36 : i32
    %dma_start3A_38 = arith.constant 0 : i32
    %dma_start3A_39 = tpu.memref_slice %arg2[%dma_start3A_38, %add3A_37] : memref<200x16384xi32, #tpu.memory_space<hbm>> -> memref<200x128xi32, #tpu.memory_space<hbm>>
    %dma_start3A_40 = arith.constant 0 : i32
    %dma_start3A_41 = tpu.memref_slice %arg2[%dma_start3A_40, %add3A_37] : memref<200x16384xi32, #tpu.memory_space<hbm>> -> memref<200x128xi32, #tpu.memory_space<hbm>>
    tpu.enqueue_dma source(%dma_start3A_41 : memref<200x128xi32, #tpu.memory_space<hbm>>) target(%arg7 : memref<200x128xi32, #tpu.memory_space<vmem>>) target_semaphore(%arg11 : memref<!tpu.dma_semaphore, #tpu.memory_space<semaphore_mem>>)
    %dma_start3A_42 = arith.constant 0 : i32
    %dma_start3A_43 = tpu.memref_slice %arg5[%dma_start3A_42] : memref<128xi32, #tpu.memory_space<vmem>> -> memref<120xi32, #tpu.memory_space<vmem>>
    %dma_start3A_44 = arith.constant 0 : i32
    %dma_start3A_45 = tpu.memref_slice %arg5[%dma_start3A_44] : memref<128xi32, #tpu.memory_space<vmem>> -> memref<120xi32, #tpu.memory_space<vmem>>
    tpu.enqueue_dma source(%arg3 : memref<120xi32, #tpu.memory_space<hbm>>) target(%dma_start3A_45 : memref<120xi32, #tpu.memory_space<vmem>>) target_semaphore(%arg14 : memref<!tpu.dma_semaphore, #tpu.memory_space<semaphore_mem>>)
    %dma_wait3A = arith.constant 0 : i32
    %dma_wait3A_46 = tpu.memref_slice %arg5[%dma_wait3A] : memref<128xi32, #tpu.memory_space<vmem>> -> memref<120xi32, #tpu.memory_space<vmem>>
    %dma_wait3A_47 = arith.constant 0 : i32
    %dma_wait3A_48 = tpu.memref_slice %arg5[%dma_wait3A_47] : memref<128xi32, #tpu.memory_space<vmem>> -> memref<120xi32, #tpu.memory_space<vmem>>
    tpu.wait_dma2 semaphore(%arg14 : memref<!tpu.dma_semaphore, #tpu.memory_space<semaphore_mem>>) src(%arg3 : memref<120xi32, #tpu.memory_space<hbm>>) dst(%dma_wait3A_48 : memref<120xi32, #tpu.memory_space<vmem>>)
    %dma_wait3A_49 = arith.constant 0 : i32
    %dma_wait3A_50 = tpu.memref_slice %arg2[%dma_wait3A_49, %mul3A_2] : memref<200x16384xi32, #tpu.memory_space<hbm>> -> memref<200x128xi32, #tpu.memory_space<hbm>>
    %dma_wait3A_51 = arith.constant 0 : i32
    %dma_wait3A_52 = tpu.memref_slice %arg2[%dma_wait3A_51, %mul3A_2] : memref<200x16384xi32, #tpu.memory_space<hbm>> -> memref<200x128xi32, #tpu.memory_space<hbm>>
    tpu.wait_dma2 semaphore(%arg10 : memref<!tpu.dma_semaphore, #tpu.memory_space<semaphore_mem>>) src(%dma_wait3A_52 : memref<200x128xi32, #tpu.memory_space<hbm>>) dst(%arg6 : memref<200x128xi32, #tpu.memory_space<vmem>>)
    %parallel_loop3A = arith.constant 0 : i32
    %parallel_loop3A_53 = arith.constant 200 : i32
    %parallel_loop3A_54 = arith.constant 1 : i32
    scf.for %parallel_loop3A_128 = %parallel_loop3A to %parallel_loop3A_53 step %parallel_loop3A_54  : i32 {
      %parallel_loop3A_129 = vector.broadcast %parallel_loop3A_128 : i32 to vector<16xi32>
      %parallel_loop3A_130 = tpu.vector_load_idx %arg6[%parallel_loop3A_129, %add3A_4] : memref<200x128xi32, #tpu.memory_space<vmem>>[vector<16xi32>, vector<16xi32>], vector<16xi32>,
      %parallel_loop3A_131 = tpu.vector_load_idx %arg5[%parallel_loop3A_130] : memref<128xi32, #tpu.memory_space<vmem>>[vector<16xi32>], vector<16xi32>,
      tpu.vector_store_idx %arg8[%parallel_loop3A_129, %add3A_4], %parallel_loop3A_131 : memref<200x128xi32, #tpu.memory_space<vmem>>[vector<16xi32>, vector<16xi32>], vector<16xi32>,
      %parallel_loop3A_132 = tpu.vector_load_idx %arg6[%parallel_loop3A_129, %add3A_8] : memref<200x128xi32, #tpu.memory_space<vmem>>[vector<16xi32>, vector<16xi32>], vector<16xi32>,
      %parallel_loop3A_133 = tpu.vector_load_idx %arg5[%parallel_loop3A_132] : memref<128xi32, #tpu.memory_space<vmem>>[vector<16xi32>], vector<16xi32>,
      tpu.vector_store_idx %arg8[%parallel_loop3A_129, %add3A_8], %parallel_loop3A_133 : memref<200x128xi32, #tpu.memory_space<vmem>>[vector<16xi32>, vector<16xi32>], vector<16xi32>,
      %parallel_loop3A_134 = tpu.vector_load_idx %arg6[%parallel_loop3A_129, %add3A_12] : memref<200x128xi32, #tpu.memory_space<vmem>>[vector<16xi32>, vector<16xi32>], vector<16xi32>,
      %parallel_loop3A_135 = tpu.vector_load_idx %arg5[%parallel_loop3A_134] : memref<128xi32, #tpu.memory_space<vmem>>[vector<16xi32>], vector<16xi32>,
      tpu.vector_store_idx %arg8[%parallel_loop3A_129, %add3A_12], %parallel_loop3A_135 : memref<200x128xi32, #tpu.memory_space<vmem>>[vector<16xi32>, vector<16xi32>], vector<16xi32>,
      %parallel_loop3A_136 = tpu.vector_load_idx %arg6[%parallel_loop3A_129, %add3A_16] : memref<200x128xi32, #tpu.memory_space<vmem>>[vector<16xi32>, vector<16xi32>], vector<16xi32>,
      %parallel_loop3A_137 = tpu.vector_load_idx %arg5[%parallel_loop3A_136] : memref<128xi32, #tpu.memory_space<vmem>>[vector<16xi32>], vector<16xi32>,
      tpu.vector_store_idx %arg8[%parallel_loop3A_129, %add3A_16], %parallel_loop3A_137 : memref<200x128xi32, #tpu.memory_space<vmem>>[vector<16xi32>, vector<16xi32>], vector<16xi32>,
      %parallel_loop3A_138 = tpu.vector_load_idx %arg6[%parallel_loop3A_129, %add3A_20] : memref<200x128xi32, #tpu.memory_space<vmem>>[vector<16xi32>, vector<16xi32>], vector<16xi32>,
      %parallel_loop3A_139 = tpu.vector_load_idx %arg5[%parallel_loop3A_138] : memref<128xi32, #tpu.memory_space<vmem>>[vector<16xi32>], vector<16xi32>,
      tpu.vector_store_idx %arg8[%parallel_loop3A_129, %add3A_20], %parallel_loop3A_139 : memref<200x128xi32, #tpu.memory_space<vmem>>[vector<16xi32>, vector<16xi32>], vector<16xi32>,
      %parallel_loop3A_140 = tpu.vector_load_idx %arg6[%parallel_loop3A_129, %add3A_24] : memref<200x128xi32, #tpu.memory_space<vmem>>[vector<16xi32>, vector<16xi32>], vector<16xi32>,
      %parallel_loop3A_141 = tpu.vector_load_idx %arg5[%parallel_loop3A_140] : memref<128xi32, #tpu.memory_space<vmem>>[vector<16xi32>], vector<16xi32>,
      tpu.vector_store_idx %arg8[%parallel_loop3A_129, %add3A_24], %parallel_loop3A_141 : memref<200x128xi32, #tpu.memory_space<vmem>>[vector<16xi32>, vector<16xi32>], vector<16xi32>,
      %parallel_loop3A_142 = tpu.vector_load_idx %arg6[%parallel_loop3A_129, %add3A_28] : memref<200x128xi32, #tpu.memory_space<vmem>>[vector<16xi32>, vector<16xi32>], vector<16xi32>,
      %parallel_loop3A_143 = tpu.vector_load_idx %arg5[%parallel_loop3A_142] : memref<128xi32, #tpu.memory_space<vmem>>[vector<16xi32>], vector<16xi32>,
      tpu.vector_store_idx %arg8[%parallel_loop3A_129, %add3A_28], %parallel_loop3A_143 : memref<200x128xi32, #tpu.memory_space<vmem>>[vector<16xi32>, vector<16xi32>], vector<16xi32>,
      %parallel_loop3A_144 = tpu.vector_load_idx %arg6[%parallel_loop3A_129, %add3A_32] : memref<200x128xi32, #tpu.memory_space<vmem>>[vector<16xi32>, vector<16xi32>], vector<16xi32>,
      %parallel_loop3A_145 = tpu.vector_load_idx %arg5[%parallel_loop3A_144] : memref<128xi32, #tpu.memory_space<vmem>>[vector<16xi32>], vector<16xi32>,
      tpu.vector_store_idx %arg8[%parallel_loop3A_129, %add3A_32], %parallel_loop3A_145 : memref<200x128xi32, #tpu.memory_space<vmem>>[vector<16xi32>, vector<16xi32>], vector<16xi32>,
    } {sc.loop_unroll_factor = 2 : i64, sc.parallel_access}
    %add3A_55 = arith.constant 256 : i32
    %add3A_56 = arith.addi %mul3A_2, %add3A_55 : i32
    %dma_start3A_57 = arith.constant 0 : i32
    %dma_start3A_58 = tpu.memref_slice %arg2[%dma_start3A_57, %add3A_56] : memref<200x16384xi32, #tpu.memory_space<hbm>> -> memref<200x128xi32, #tpu.memory_space<hbm>>
    %dma_start3A_59 = arith.constant 0 : i32
    %dma_start3A_60 = tpu.memref_slice %arg2[%dma_start3A_59, %add3A_56] : memref<200x16384xi32, #tpu.memory_space<hbm>> -> memref<200x128xi32, #tpu.memory_space<hbm>>
    tpu.enqueue_dma source(%dma_start3A_60 : memref<200x128xi32, #tpu.memory_space<hbm>>) target(%arg6 : memref<200x128xi32, #tpu.memory_space<vmem>>) target_semaphore(%arg10 : memref<!tpu.dma_semaphore, #tpu.memory_space<semaphore_mem>>)
    %add3A_61 = arith.constant 0 : i32
    %add3A_62 = arith.addi %mul3A_2, %add3A_61 : i32
    %dma_start3A_63 = arith.constant 0 : i32
    %dma_start3A_64 = tpu.memref_slice %arg4[%dma_start3A_63, %add3A_62] : memref<200x16384xi32, #tpu.memory_space<hbm>> -> memref<200x128xi32, #tpu.memory_space<hbm>>
    %dma_start3A_65 = arith.constant 0 : i32
    %dma_start3A_66 = tpu.memref_slice %arg4[%dma_start3A_65, %add3A_62] : memref<200x16384xi32, #tpu.memory_space<hbm>> -> memref<200x128xi32, #tpu.memory_space<hbm>>
    tpu.enqueue_dma source(%arg8 : memref<200x128xi32, #tpu.memory_space<vmem>>) target(%dma_start3A_66 : memref<200x128xi32, #tpu.memory_space<hbm>>) target_semaphore(%arg12 : memref<!tpu.dma_semaphore, #tpu.memory_space<semaphore_mem>>)
    %dma_wait3A_67 = arith.constant 0 : i32
    %dma_wait3A_68 = tpu.memref_slice %arg2[%dma_wait3A_67, %add3A_37] : memref<200x16384xi32, #tpu.memory_space<hbm>> -> memref<200x128xi32, #tpu.memory_space<hbm>>
    %dma_wait3A_69 = arith.constant 0 : i32
    %dma_wait3A_70 = tpu.memref_slice %arg2[%dma_wait3A_69, %add3A_37] : memref<200x16384xi32, #tpu.memory_space<hbm>> -> memref<200x128xi32, #tpu.memory_space<hbm>>
    tpu.wait_dma2 semaphore(%arg11 : memref<!tpu.dma_semaphore, #tpu.memory_space<semaphore_mem>>) src(%dma_wait3A_70 : memref<200x128xi32, #tpu.memory_space<hbm>>) dst(%arg7 : memref<200x128xi32, #tpu.memory_space<vmem>>)
    %parallel_loop3A_71 = arith.constant 0 : i32
    %parallel_loop3A_72 = arith.constant 200 : i32
    %parallel_loop3A_73 = arith.constant 1 : i32
    scf.for %parallel_loop3A_128 = %parallel_loop3A_71 to %parallel_loop3A_72 step %parallel_loop3A_73  : i32 {
      %parallel_loop3A_129 = vector.broadcast %parallel_loop3A_128 : i32 to vector<16xi32>
      %parallel_loop3A_130 = tpu.vector_load_idx %arg7[%parallel_loop3A_129, %add3A_4] : memref<200x128xi32, #tpu.memory_space<vmem>>[vector<16xi32>, vector<16xi32>], vector<16xi32>,
      %parallel_loop3A_131 = tpu.vector_load_idx %arg5[%parallel_loop3A_130] : memref<128xi32, #tpu.memory_space<vmem>>[vector<16xi32>], vector<16xi32>,
      tpu.vector_store_idx %arg9[%parallel_loop3A_129, %add3A_4], %parallel_loop3A_131 : memref<200x128xi32, #tpu.memory_space<vmem>>[vector<16xi32>, vector<16xi32>], vector<16xi32>,
      %parallel_loop3A_132 = tpu.vector_load_idx %arg7[%parallel_loop3A_129, %add3A_8] : memref<200x128xi32, #tpu.memory_space<vmem>>[vector<16xi32>, vector<16xi32>], vector<16xi32>,
      %parallel_loop3A_133 = tpu.vector_load_idx %arg5[%parallel_loop3A_132] : memref<128xi32, #tpu.memory_space<vmem>>[vector<16xi32>], vector<16xi32>,
      tpu.vector_store_idx %arg9[%parallel_loop3A_129, %add3A_8], %parallel_loop3A_133 : memref<200x128xi32, #tpu.memory_space<vmem>>[vector<16xi32>, vector<16xi32>], vector<16xi32>,
      %parallel_loop3A_134 = tpu.vector_load_idx %arg7[%parallel_loop3A_129, %add3A_12] : memref<200x128xi32, #tpu.memory_space<vmem>>[vector<16xi32>, vector<16xi32>], vector<16xi32>,
      %parallel_loop3A_135 = tpu.vector_load_idx %arg5[%parallel_loop3A_134] : memref<128xi32, #tpu.memory_space<vmem>>[vector<16xi32>], vector<16xi32>,
      tpu.vector_store_idx %arg9[%parallel_loop3A_129, %add3A_12], %parallel_loop3A_135 : memref<200x128xi32, #tpu.memory_space<vmem>>[vector<16xi32>, vector<16xi32>], vector<16xi32>,
      %parallel_loop3A_136 = tpu.vector_load_idx %arg7[%parallel_loop3A_129, %add3A_16] : memref<200x128xi32, #tpu.memory_space<vmem>>[vector<16xi32>, vector<16xi32>], vector<16xi32>,
      %parallel_loop3A_137 = tpu.vector_load_idx %arg5[%parallel_loop3A_136] : memref<128xi32, #tpu.memory_space<vmem>>[vector<16xi32>], vector<16xi32>,
      tpu.vector_store_idx %arg9[%parallel_loop3A_129, %add3A_16], %parallel_loop3A_137 : memref<200x128xi32, #tpu.memory_space<vmem>>[vector<16xi32>, vector<16xi32>], vector<16xi32>,
      %parallel_loop3A_138 = tpu.vector_load_idx %arg7[%parallel_loop3A_129, %add3A_20] : memref<200x128xi32, #tpu.memory_space<vmem>>[vector<16xi32>, vector<16xi32>], vector<16xi32>,
      %parallel_loop3A_139 = tpu.vector_load_idx %arg5[%parallel_loop3A_138] : memref<128xi32, #tpu.memory_space<vmem>>[vector<16xi32>], vector<16xi32>,
      tpu.vector_store_idx %arg9[%parallel_loop3A_129, %add3A_20], %parallel_loop3A_139 : memref<200x128xi32, #tpu.memory_space<vmem>>[vector<16xi32>, vector<16xi32>], vector<16xi32>,
      %parallel_loop3A_140 = tpu.vector_load_idx %arg7[%parallel_loop3A_129, %add3A_24] : memref<200x128xi32, #tpu.memory_space<vmem>>[vector<16xi32>, vector<16xi32>], vector<16xi32>,
      %parallel_loop3A_141 = tpu.vector_load_idx %arg5[%parallel_loop3A_140] : memref<128xi32, #tpu.memory_space<vmem>>[vector<16xi32>], vector<16xi32>,
      tpu.vector_store_idx %arg9[%parallel_loop3A_129, %add3A_24], %parallel_loop3A_141 : memref<200x128xi32, #tpu.memory_space<vmem>>[vector<16xi32>, vector<16xi32>], vector<16xi32>,
      %parallel_loop3A_142 = tpu.vector_load_idx %arg7[%parallel_loop3A_129, %add3A_28] : memref<200x128xi32, #tpu.memory_space<vmem>>[vector<16xi32>, vector<16xi32>], vector<16xi32>,
      %parallel_loop3A_143 = tpu.vector_load_idx %arg5[%parallel_loop3A_142] : memref<128xi32, #tpu.memory_space<vmem>>[vector<16xi32>], vector<16xi32>,
      tpu.vector_store_idx %arg9[%parallel_loop3A_129, %add3A_28], %parallel_loop3A_143 : memref<200x128xi32, #tpu.memory_space<vmem>>[vector<16xi32>, vector<16xi32>], vector<16xi32>,
      %parallel_loop3A_144 = tpu.vector_load_idx %arg7[%parallel_loop3A_129, %add3A_32] : memref<200x128xi32, #tpu.memory_space<vmem>>[vector<16xi32>, vector<16xi32>], vector<16xi32>,
      %parallel_loop3A_145 = tpu.vector_load_idx %arg5[%parallel_loop3A_144] : memref<128xi32, #tpu.memory_space<vmem>>[vector<16xi32>], vector<16xi32>,
      tpu.vector_store_idx %arg9[%parallel_loop3A_129, %add3A_32], %parallel_loop3A_145 : memref<200x128xi32, #tpu.memory_space<vmem>>[vector<16xi32>, vector<16xi32>], vector<16xi32>,
    } {sc.loop_unroll_factor = 2 : i64, sc.parallel_access}
    %add3A_74 = arith.constant 384 : i32
    %add3A_75 = arith.addi %mul3A_2, %add3A_74 : i32
    %dma_start3A_76 = arith.constant 0 : i32
    %dma_start3A_77 = tpu.memref_slice %arg2[%dma_start3A_76, %add3A_75] : memref<200x16384xi32, #tpu.memory_space<hbm>> -> memref<200x128xi32, #tpu.memory_space<hbm>>
    %dma_start3A_78 = arith.constant 0 : i32
    %dma_start3A_79 = tpu.memref_slice %arg2[%dma_start3A_78, %add3A_75] : memref<200x16384xi32, #tpu.memory_space<hbm>> -> memref<200x128xi32, #tpu.memory_space<hbm>>
    tpu.enqueue_dma source(%dma_start3A_79 : memref<200x128xi32, #tpu.memory_space<hbm>>) target(%arg7 : memref<200x128xi32, #tpu.memory_space<vmem>>) target_semaphore(%arg11 : memref<!tpu.dma_semaphore, #tpu.memory_space<semaphore_mem>>)
    %add3A_80 = arith.constant 128 : i32
    %add3A_81 = arith.addi %mul3A_2, %add3A_80 : i32
    %dma_start3A_82 = arith.constant 0 : i32
    %dma_start3A_83 = tpu.memref_slice %arg4[%dma_start3A_82, %add3A_81] : memref<200x16384xi32, #tpu.memory_space<hbm>> -> memref<200x128xi32, #tpu.memory_space<hbm>>
    %dma_start3A_84 = arith.constant 0 : i32
    %dma_start3A_85 = tpu.memref_slice %arg4[%dma_start3A_84, %add3A_81] : memref<200x16384xi32, #tpu.memory_space<hbm>> -> memref<200x128xi32, #tpu.memory_space<hbm>>
    tpu.enqueue_dma source(%arg9 : memref<200x128xi32, #tpu.memory_space<vmem>>) target(%dma_start3A_85 : memref<200x128xi32, #tpu.memory_space<hbm>>) target_semaphore(%arg13 : memref<!tpu.dma_semaphore, #tpu.memory_space<semaphore_mem>>)
    %dma_wait3A_86 = arith.constant 0 : i32
    %dma_wait3A_87 = tpu.memref_slice %arg2[%dma_wait3A_86, %add3A_56] : memref<200x16384xi32, #tpu.memory_space<hbm>> -> memref<200x128xi32, #tpu.memory_space<hbm>>
    %dma_wait3A_88 = arith.constant 0 : i32
    %dma_wait3A_89 = tpu.memref_slice %arg2[%dma_wait3A_88, %add3A_56] : memref<200x16384xi32, #tpu.memory_space<hbm>> -> memref<200x128xi32, #tpu.memory_space<hbm>>
    tpu.wait_dma2 semaphore(%arg10 : memref<!tpu.dma_semaphore, #tpu.memory_space<semaphore_mem>>) src(%dma_wait3A_89 : memref<200x128xi32, #tpu.memory_space<hbm>>) dst(%arg6 : memref<200x128xi32, #tpu.memory_space<vmem>>)
    %dma_wait3A_90 = arith.constant 0 : i32
    %dma_wait3A_91 = tpu.memref_slice %arg4[%dma_wait3A_90, %add3A_62] : memref<200x16384xi32, #tpu.memory_space<hbm>> -> memref<200x128xi32, #tpu.memory_space<hbm>>
    %dma_wait3A_92 = arith.constant 0 : i32
    %dma_wait3A_93 = tpu.memref_slice %arg4[%dma_wait3A_92, %add3A_62] : memref<200x16384xi32, #tpu.memory_space<hbm>> -> memref<200x128xi32, #tpu.memory_space<hbm>>
    tpu.wait_dma2 semaphore(%arg12 : memref<!tpu.dma_semaphore, #tpu.memory_space<semaphore_mem>>) src(%arg8 : memref<200x128xi32, #tpu.memory_space<vmem>>) dst(%dma_wait3A_93 : memref<200x128xi32, #tpu.memory_space<hbm>>)
    %parallel_loop3A_94 = arith.constant 0 : i32
    %parallel_loop3A_95 = arith.constant 200 : i32
    %parallel_loop3A_96 = arith.constant 1 : i32
    scf.for %parallel_loop3A_128 = %parallel_loop3A_94 to %parallel_loop3A_95 step %parallel_loop3A_96  : i32 {
      %parallel_loop3A_129 = vector.broadcast %parallel_loop3A_128 : i32 to vector<16xi32>
      %parallel_loop3A_130 = tpu.vector_load_idx %arg6[%parallel_loop3A_129, %add3A_4] : memref<200x128xi32, #tpu.memory_space<vmem>>[vector<16xi32>, vector<16xi32>], vector<16xi32>,
      %parallel_loop3A_131 = tpu.vector_load_idx %arg5[%parallel_loop3A_130] : memref<128xi32, #tpu.memory_space<vmem>>[vector<16xi32>], vector<16xi32>,
      tpu.vector_store_idx %arg8[%parallel_loop3A_129, %add3A_4], %parallel_loop3A_131 : memref<200x128xi32, #tpu.memory_space<vmem>>[vector<16xi32>, vector<16xi32>], vector<16xi32>,
      %parallel_loop3A_132 = tpu.vector_load_idx %arg6[%parallel_loop3A_129, %add3A_8] : memref<200x128xi32, #tpu.memory_space<vmem>>[vector<16xi32>, vector<16xi32>], vector<16xi32>,
      %parallel_loop3A_133 = tpu.vector_load_idx %arg5[%parallel_loop3A_132] : memref<128xi32, #tpu.memory_space<vmem>>[vector<16xi32>], vector<16xi32>,
      tpu.vector_store_idx %arg8[%parallel_loop3A_129, %add3A_8], %parallel_loop3A_133 : memref<200x128xi32, #tpu.memory_space<vmem>>[vector<16xi32>, vector<16xi32>], vector<16xi32>,
      %parallel_loop3A_134 = tpu.vector_load_idx %arg6[%parallel_loop3A_129, %add3A_12] : memref<200x128xi32, #tpu.memory_space<vmem>>[vector<16xi32>, vector<16xi32>], vector<16xi32>,
      %parallel_loop3A_135 = tpu.vector_load_idx %arg5[%parallel_loop3A_134] : memref<128xi32, #tpu.memory_space<vmem>>[vector<16xi32>], vector<16xi32>,
      tpu.vector_store_idx %arg8[%parallel_loop3A_129, %add3A_12], %parallel_loop3A_135 : memref<200x128xi32, #tpu.memory_space<vmem>>[vector<16xi32>, vector<16xi32>], vector<16xi32>,
      %parallel_loop3A_136 = tpu.vector_load_idx %arg6[%parallel_loop3A_129, %add3A_16] : memref<200x128xi32, #tpu.memory_space<vmem>>[vector<16xi32>, vector<16xi32>], vector<16xi32>,
      %parallel_loop3A_137 = tpu.vector_load_idx %arg5[%parallel_loop3A_136] : memref<128xi32, #tpu.memory_space<vmem>>[vector<16xi32>], vector<16xi32>,
      tpu.vector_store_idx %arg8[%parallel_loop3A_129, %add3A_16], %parallel_loop3A_137 : memref<200x128xi32, #tpu.memory_space<vmem>>[vector<16xi32>, vector<16xi32>], vector<16xi32>,
      %parallel_loop3A_138 = tpu.vector_load_idx %arg6[%parallel_loop3A_129, %add3A_20] : memref<200x128xi32, #tpu.memory_space<vmem>>[vector<16xi32>, vector<16xi32>], vector<16xi32>,
      %parallel_loop3A_139 = tpu.vector_load_idx %arg5[%parallel_loop3A_138] : memref<128xi32, #tpu.memory_space<vmem>>[vector<16xi32>], vector<16xi32>,
      tpu.vector_store_idx %arg8[%parallel_loop3A_129, %add3A_20], %parallel_loop3A_139 : memref<200x128xi32, #tpu.memory_space<vmem>>[vector<16xi32>, vector<16xi32>], vector<16xi32>,
      %parallel_loop3A_140 = tpu.vector_load_idx %arg6[%parallel_loop3A_129, %add3A_24] : memref<200x128xi32, #tpu.memory_space<vmem>>[vector<16xi32>, vector<16xi32>], vector<16xi32>,
      %parallel_loop3A_141 = tpu.vector_load_idx %arg5[%parallel_loop3A_140] : memref<128xi32, #tpu.memory_space<vmem>>[vector<16xi32>], vector<16xi32>,
      tpu.vector_store_idx %arg8[%parallel_loop3A_129, %add3A_24], %parallel_loop3A_141 : memref<200x128xi32, #tpu.memory_space<vmem>>[vector<16xi32>, vector<16xi32>], vector<16xi32>,
      %parallel_loop3A_142 = tpu.vector_load_idx %arg6[%parallel_loop3A_129, %add3A_28] : memref<200x128xi32, #tpu.memory_space<vmem>>[vector<16xi32>, vector<16xi32>], vector<16xi32>,
      %parallel_loop3A_143 = tpu.vector_load_idx %arg5[%parallel_loop3A_142] : memref<128xi32, #tpu.memory_space<vmem>>[vector<16xi32>], vector<16xi32>,
      tpu.vector_store_idx %arg8[%parallel_loop3A_129, %add3A_28], %parallel_loop3A_143 : memref<200x128xi32, #tpu.memory_space<vmem>>[vector<16xi32>, vector<16xi32>], vector<16xi32>,
      %parallel_loop3A_144 = tpu.vector_load_idx %arg6[%parallel_loop3A_129, %add3A_32] : memref<200x128xi32, #tpu.memory_space<vmem>>[vector<16xi32>, vector<16xi32>], vector<16xi32>,
      %parallel_loop3A_145 = tpu.vector_load_idx %arg5[%parallel_loop3A_144] : memref<128xi32, #tpu.memory_space<vmem>>[vector<16xi32>], vector<16xi32>,
      tpu.vector_store_idx %arg8[%parallel_loop3A_129, %add3A_32], %parallel_loop3A_145 : memref<200x128xi32, #tpu.memory_space<vmem>>[vector<16xi32>, vector<16xi32>], vector<16xi32>,
    } {sc.loop_unroll_factor = 2 : i64, sc.parallel_access}
    %add3A_97 = arith.constant 256 : i32
    %add3A_98 = arith.addi %mul3A_2, %add3A_97 : i32
    %dma_start3A_99 = arith.constant 0 : i32
    %dma_start3A_100 = tpu.memref_slice %arg4[%dma_start3A_99, %add3A_98] : memref<200x16384xi32, #tpu.memory_space<hbm>> -> memref<200x128xi32, #tpu.memory_space<hbm>>
    %dma_start3A_101 = arith.constant 0 : i32
    %dma_start3A_102 = tpu.memref_slice %arg4[%dma_start3A_101, %add3A_98] : memref<200x16384xi32, #tpu.memory_space<hbm>> -> memref<200x128xi32, #tpu.memory_space<hbm>>
    tpu.enqueue_dma source(%arg8 : memref<200x128xi32, #tpu.memory_space<vmem>>) target(%dma_start3A_102 : memref<200x128xi32, #tpu.memory_space<hbm>>) target_semaphore(%arg12 : memref<!tpu.dma_semaphore, #tpu.memory_space<semaphore_mem>>)
    %dma_wait3A_103 = arith.constant 0 : i32
    %dma_wait3A_104 = tpu.memref_slice %arg2[%dma_wait3A_103, %add3A_75] : memref<200x16384xi32, #tpu.memory_space<hbm>> -> memref<200x128xi32, #tpu.memory_space<hbm>>
    %dma_wait3A_105 = arith.constant 0 : i32
    %dma_wait3A_106 = tpu.memref_slice %arg2[%dma_wait3A_105, %add3A_75] : memref<200x16384xi32, #tpu.memory_space<hbm>> -> memref<200x128xi32, #tpu.memory_space<hbm>>
    tpu.wait_dma2 semaphore(%arg11 : memref<!tpu.dma_semaphore, #tpu.memory_space<semaphore_mem>>) src(%dma_wait3A_106 : memref<200x128xi32, #tpu.memory_space<hbm>>) dst(%arg7 : memref<200x128xi32, #tpu.memory_space<vmem>>)
    %dma_wait3A_107 = arith.constant 0 : i32
    %dma_wait3A_108 = tpu.memref_slice %arg4[%dma_wait3A_107, %add3A_81] : memref<200x16384xi32, #tpu.memory_space<hbm>> -> memref<200x128xi32, #tpu.memory_space<hbm>>
    %dma_wait3A_109 = arith.constant 0 : i32
    %dma_wait3A_110 = tpu.memref_slice %arg4[%dma_wait3A_109, %add3A_81] : memref<200x16384xi32, #tpu.memory_space<hbm>> -> memref<200x128xi32, #tpu.memory_space<hbm>>
    tpu.wait_dma2 semaphore(%arg13 : memref<!tpu.dma_semaphore, #tpu.memory_space<semaphore_mem>>) src(%arg9 : memref<200x128xi32, #tpu.memory_space<vmem>>) dst(%dma_wait3A_110 : memref<200x128xi32, #tpu.memory_space<hbm>>)
    %parallel_loop3A_111 = arith.constant 0 : i32
    %parallel_loop3A_112 = arith.constant 200 : i32
    %parallel_loop3A_113 = arith.constant 1 : i32
    scf.for %parallel_loop3A_128 = %parallel_loop3A_111 to %parallel_loop3A_112 step %parallel_loop3A_113  : i32 {
      %parallel_loop3A_129 = vector.broadcast %parallel_loop3A_128 : i32 to vector<16xi32>
      %parallel_loop3A_130 = tpu.vector_load_idx %arg7[%parallel_loop3A_129, %add3A_4] : memref<200x128xi32, #tpu.memory_space<vmem>>[vector<16xi32>, vector<16xi32>], vector<16xi32>,
      %parallel_loop3A_131 = tpu.vector_load_idx %arg5[%parallel_loop3A_130] : memref<128xi32, #tpu.memory_space<vmem>>[vector<16xi32>], vector<16xi32>,
      tpu.vector_store_idx %arg9[%parallel_loop3A_129, %add3A_4], %parallel_loop3A_131 : memref<200x128xi32, #tpu.memory_space<vmem>>[vector<16xi32>, vector<16xi32>], vector<16xi32>,
      %parallel_loop3A_132 = tpu.vector_load_idx %arg7[%parallel_loop3A_129, %add3A_8] : memref<200x128xi32, #tpu.memory_space<vmem>>[vector<16xi32>, vector<16xi32>], vector<16xi32>,
      %parallel_loop3A_133 = tpu.vector_load_idx %arg5[%parallel_loop3A_132] : memref<128xi32, #tpu.memory_space<vmem>>[vector<16xi32>], vector<16xi32>,
      tpu.vector_store_idx %arg9[%parallel_loop3A_129, %add3A_8], %parallel_loop3A_133 : memref<200x128xi32, #tpu.memory_space<vmem>>[vector<16xi32>, vector<16xi32>], vector<16xi32>,
      %parallel_loop3A_134 = tpu.vector_load_idx %arg7[%parallel_loop3A_129, %add3A_12] : memref<200x128xi32, #tpu.memory_space<vmem>>[vector<16xi32>, vector<16xi32>], vector<16xi32>,
      %parallel_loop3A_135 = tpu.vector_load_idx %arg5[%parallel_loop3A_134] : memref<128xi32, #tpu.memory_space<vmem>>[vector<16xi32>], vector<16xi32>,
      tpu.vector_store_idx %arg9[%parallel_loop3A_129, %add3A_12], %parallel_loop3A_135 : memref<200x128xi32, #tpu.memory_space<vmem>>[vector<16xi32>, vector<16xi32>], vector<16xi32>,
      %parallel_loop3A_136 = tpu.vector_load_idx %arg7[%parallel_loop3A_129, %add3A_16] : memref<200x128xi32, #tpu.memory_space<vmem>>[vector<16xi32>, vector<16xi32>], vector<16xi32>,
      %parallel_loop3A_137 = tpu.vector_load_idx %arg5[%parallel_loop3A_136] : memref<128xi32, #tpu.memory_space<vmem>>[vector<16xi32>], vector<16xi32>,
      tpu.vector_store_idx %arg9[%parallel_loop3A_129, %add3A_16], %parallel_loop3A_137 : memref<200x128xi32, #tpu.memory_space<vmem>>[vector<16xi32>, vector<16xi32>], vector<16xi32>,
      %parallel_loop3A_138 = tpu.vector_load_idx %arg7[%parallel_loop3A_129, %add3A_20] : memref<200x128xi32, #tpu.memory_space<vmem>>[vector<16xi32>, vector<16xi32>], vector<16xi32>,
      %parallel_loop3A_139 = tpu.vector_load_idx %arg5[%parallel_loop3A_138] : memref<128xi32, #tpu.memory_space<vmem>>[vector<16xi32>], vector<16xi32>,
      tpu.vector_store_idx %arg9[%parallel_loop3A_129, %add3A_20], %parallel_loop3A_139 : memref<200x128xi32, #tpu.memory_space<vmem>>[vector<16xi32>, vector<16xi32>], vector<16xi32>,
      %parallel_loop3A_140 = tpu.vector_load_idx %arg7[%parallel_loop3A_129, %add3A_24] : memref<200x128xi32, #tpu.memory_space<vmem>>[vector<16xi32>, vector<16xi32>], vector<16xi32>,
      %parallel_loop3A_141 = tpu.vector_load_idx %arg5[%parallel_loop3A_140] : memref<128xi32, #tpu.memory_space<vmem>>[vector<16xi32>], vector<16xi32>,
      tpu.vector_store_idx %arg9[%parallel_loop3A_129, %add3A_24], %parallel_loop3A_141 : memref<200x128xi32, #tpu.memory_space<vmem>>[vector<16xi32>, vector<16xi32>], vector<16xi32>,
      %parallel_loop3A_142 = tpu.vector_load_idx %arg7[%parallel_loop3A_129, %add3A_28] : memref<200x128xi32, #tpu.memory_space<vmem>>[vector<16xi32>, vector<16xi32>], vector<16xi32>,
      %parallel_loop3A_143 = tpu.vector_load_idx %arg5[%parallel_loop3A_142] : memref<128xi32, #tpu.memory_space<vmem>>[vector<16xi32>], vector<16xi32>,
      tpu.vector_store_idx %arg9[%parallel_loop3A_129, %add3A_28], %parallel_loop3A_143 : memref<200x128xi32, #tpu.memory_space<vmem>>[vector<16xi32>, vector<16xi32>], vector<16xi32>,
      %parallel_loop3A_144 = tpu.vector_load_idx %arg7[%parallel_loop3A_129, %add3A_32] : memref<200x128xi32, #tpu.memory_space<vmem>>[vector<16xi32>, vector<16xi32>], vector<16xi32>,
      %parallel_loop3A_145 = tpu.vector_load_idx %arg5[%parallel_loop3A_144] : memref<128xi32, #tpu.memory_space<vmem>>[vector<16xi32>], vector<16xi32>,
      tpu.vector_store_idx %arg9[%parallel_loop3A_129, %add3A_32], %parallel_loop3A_145 : memref<200x128xi32, #tpu.memory_space<vmem>>[vector<16xi32>, vector<16xi32>], vector<16xi32>,
    } {sc.loop_unroll_factor = 2 : i64, sc.parallel_access}
    %add3A_114 = arith.constant 384 : i32
    %add3A_115 = arith.addi %mul3A_2, %add3A_114 : i32
    %dma_start3A_116 = arith.constant 0 : i32
    %dma_start3A_117 = tpu.memref_slice %arg4[%dma_start3A_116, %add3A_115] : memref<200x16384xi32, #tpu.memory_space<hbm>> -> memref<200x128xi32, #tpu.memory_space<hbm>>
    %dma_start3A_118 = arith.constant 0 : i32
    %dma_start3A_119 = tpu.memref_slice %arg4[%dma_start3A_118, %add3A_115] : memref<200x16384xi32, #tpu.memory_space<hbm>> -> memref<200x128xi32, #tpu.memory_space<hbm>>
    tpu.enqueue_dma source(%arg9 : memref<200x128xi32, #tpu.memory_space<vmem>>) target(%dma_start3A_119 : memref<200x128xi32, #tpu.memory_space<hbm>>) target_semaphore(%arg13 : memref<!tpu.dma_semaphore, #tpu.memory_space<semaphore_mem>>)
    %dma_wait3A_120 = arith.constant 0 : i32
    %dma_wait3A_121 = tpu.memref_slice %arg4[%dma_wait3A_120, %add3A_98] : memref<200x16384xi32, #tpu.memory_space<hbm>> -> memref<200x128xi32, #tpu.memory_space<hbm>>
    %dma_wait3A_122 = arith.constant 0 : i32
    %dma_wait3A_123 = tpu.memref_slice %arg4[%dma_wait3A_122, %add3A_98] : memref<200x16384xi32, #tpu.memory_space<hbm>> -> memref<200x128xi32, #tpu.memory_space<hbm>>
    tpu.wait_dma2 semaphore(%arg12 : memref<!tpu.dma_semaphore, #tpu.memory_space<semaphore_mem>>) src(%arg8 : memref<200x128xi32, #tpu.memory_space<vmem>>) dst(%dma_wait3A_123 : memref<200x128xi32, #tpu.memory_space<hbm>>)
    %dma_wait3A_124 = arith.constant 0 : i32
    %dma_wait3A_125 = tpu.memref_slice %arg4[%dma_wait3A_124, %add3A_115] : memref<200x16384xi32, #tpu.memory_space<hbm>> -> memref<200x128xi32, #tpu.memory_space<hbm>>
    %dma_wait3A_126 = arith.constant 0 : i32
    %dma_wait3A_127 = tpu.memref_slice %arg4[%dma_wait3A_126, %add3A_115] : memref<200x16384xi32, #tpu.memory_space<hbm>> -> memref<200x128xi32, #tpu.memory_space<hbm>>
    tpu.wait_dma2 semaphore(%arg13 : memref<!tpu.dma_semaphore, #tpu.memory_space<semaphore_mem>>) src(%arg9 : memref<200x128xi32, #tpu.memory_space<vmem>>) dst(%dma_wait3A_127 : memref<200x128xi32, #tpu.memory_space<hbm>>)
    return
  }
}

</mosaic_0001>

<sc_bundles>
// kernel: kernel.3.cloned.1.call-start
scs
__scs_entry_jumppad:
0x0: {  	(pc) =	sbr.rel $0x88, $3  }
0x1: {  	(tag) =	ssettag $0x0;
	lr =	simm.s32 $0x1  }
0x2: {  	[smem:$0x3F9F] =	sst lr;
	_ =	strace $0xD0000000  }
0x3: {  	_ = 	snop  }
0x4: {  	_ = 	snop  }
0x5: {  	_ = 	snop  }
0x6: {  	_ = 	snop  }
0x7: {  	_ = 	snop  }
__scs_overlays_trampoline_lowered:
0x8: {  	[smem:$0x3FAE] =	sst s0  }
0x9: {  	[smem:$0x3FAF] =	sst s1  }
0xa: {  	[smem:$0x3FB0] =	sst s2  }
0xb: {  	[smem:$0x3FB1] =	sst s3  }
0xc: {  	[smem:$0x3FB2] =	sst s4  }
0xd: {  	[smem:$0x3FB3] =	sst s5  }
0xe: {  	[smem:$0x3FB4] =	sst s6  }
0xf: {  	[smem:$0x3FB5] =	sst s7  }
0x10: {  	[smem:$0x3FB6] =	sst s8  }
0x11: {  	[smem:$0x3FB7] =	sst s9;
	s0 =	simm.s32 @!p0 $0x0  }
0x12: {  	s1 =	sld [smem:$0x3F9D];
	s0 =	simm.s32 @p0 $0x1  }
0x13: {  	[smem:$0x3FB8] =	sst s0;
	s0 =	simm.s32 @!p1 $0x0  }
0x14: {  	s2 =	sld [smem:$0x3F9C];
	s0 =	simm.s32 @p1 $0x1  }
0x15: {  	[smem:$0x3FB9] =	sst s0;
	s0 =	simm.s32 @!p2 $0x0  }
0x16: {  	s3 =	sld [smem:$0x3FDB];
	s0 =	simm.s32 @p2 $0x1  }
0x17: {  	s4 =	simm.s32 $0x1BF5;
	[smem:$0x3FBB] =	sst s0  }
0x18: {  	s0 =	sld [smem:$0x3F9E];
	_ =	swait.ge [sflag:s4], $0x0  }
0x19: {  	s7 =	sld [smem:$0x3F9F]  }
0x1a: {  	s8 =	sadd.s32 $0xFFFFE003, lr  }
0x1b: {  	s9 =	sadd.s32 $0xFFFFFEF7, lr;
	s5 =	simm.s32 $0xFFFFFFFF;
	p2 =	slt.u32 s8, $0xFFFFF086  }
0x1c: {  	p1 =	slt.u32 s9, $0xF7A;
	s5 =	simm.s32 @!p2 $0x0  }
0x1d: {  	s5 =	simm.s32 @p1 $0x1;
	p0 =	seq.s32 s7, s2  }
0x1e: {  	s7 =	smul.u32 @!p0 $0xF7A, s2;
	p2 =	seq.s32 @!p0 s5, $0x0  }
0x1f: {  	s9 =	smul.u32 $0xF7A, s1;
	s8 =	simm.s32 @!p0 $0x1BF5;
	p2 =	por !p2, p0  }
0x20: {  	[sflag:s8] =	ssyncset.s32 @!p0 $0xFFFFF086;
	s6 =	sadd.s32 @!p0 s3, s7;
	s7 =	simm.s32 @!p0 $0x108  }
0x21: {  	s3 =	sadd.s32 s3, s9;
	s6 =	sadd.s32 @!p0 $0x88, s6;
	s7 =	simm.s32 @p2 $0x1082  }
0x22: {  	[simem:s7], [sflag:s8] =	dma.local @!p0 [hbm:s6], $0xF7A  }
0x23: {  	s9 =	sor.u32 $0xD0000000, s2;
	s6 =	simm.s32 $0x108;
	_ =	swait.ge @!p0 [sflag:s8], $0x0  }
0x24: {  	s3 =	sadd.s32 $0x88, s3;
	s6 =	simm.s32 @!p1 $0x1082;
	[sflag:s4] =	ssyncset.s32 $0xFFFFF086  }
0x25: {  	[simem:s6], [sflag:s4] =	dma.local [hbm:s3], $0xF7A  }
0x26: {  	[smem:$0x3F9F] =	sst s1;
	(tag) =	ssettag s2;
	_ =	strace s9  }
0x27: {  	s1 =	sld [smem:$0x3FAF]  }
0x28: {  	s2 =	sld [smem:$0x3FB0]  }
0x29: {  	s4 =	sld [smem:$0x3FB2]  }
0x2a: {  	p0 =	seq.s32 s5, $0x0;
	s5 =	sld [smem:$0x3FB3]  }
0x2b: {  	s6 =	sld [smem:$0x3FB4]  }
0x2c: {  	s7 =	sld [smem:$0x3FB5]  }
0x2d: {  	s3 =	simm.s32 $0x108;
	s8 =	sld [smem:$0x3FB6]  }
0x2e: {  	s3 =	simm.s32 @!p0 $0x1082;
	s9 =	sld [smem:$0x3FB7]  }
0x2f: {  	lr =	sadd.s32 s0, s3;
	s0 =	sld [smem:$0x3FAE]  }
0x30: {  	s3 =	sld [smem:$0x3FB1]  }
0x31: {  	[smem:$0x3FBA] =	sst s10  }
0x32: {  	s10 =	sld [smem:$0x3FB8];
	_ =	sdelay $0x3  }
0x33: {  	p0 =	seq.s32 s10, $0x1;
	s10 =	sld [smem:$0x3FBA];
	_ =	sdelay $0x3  }
0x34: {  	[smem:$0x3FBA] =	sst s10  }
0x35: {  	s10 =	sld [smem:$0x3FB9];
	_ =	sdelay $0x3  }
0x36: {  	p1 =	seq.s32 s10, $0x1;
	s10 =	sld [smem:$0x3FBA];
	_ =	sdelay $0x3  }
0x37: {  	[smem:$0x3FBA] =	sst s10  }
0x38: {  	s10 =	sld [smem:$0x3FBB]  }
0x39: {  	_ = 	snop;
	(pc) =	sbr.ind lr, $3  }
0x3a: {  	_ = 	snop  }
0x3b: {  	_ = 	snop  }
0x3c: {  	p2 =	seq.s32 s10, $0x1;
	s10 =	sld [smem:$0x3FBA]  }
0x3d: {  	_ =	shalt  }
0x3e: {  	_ =	shalt  }
0x3f: {  	_ =	shalt  }
0x40: {  	_ =	shalt  }
0x41: {  	_ =	shalt  }
0x42: {  	_ =	shalt  }
0x43: {  	_ =	shalt  }
0x44: {  	_ =	shalt  }
0x45: {  	_ =	shalt  }
0x46: {  	_ =	shalt  }
0x47: {  	_ =	shalt  }
0x48: {  	_ =	shalt  }
0x49: {  	_ =	shalt  }
0x4a: {  	_ =	shalt  }
0x4b: {  	_ =	shalt  }
0x4c: {  	_ =	shalt  }
0x4d: {  	_ =	shalt  }
0x4e: {  	_ =	shalt  }
0x4f: {  	_ =	shalt  }
0x50: {  	_ =	shalt  }
0x51: {  	_ =	shalt  }
0x52: {  	_ =	shalt  }
0x53: {  	_ =	shalt  }
0x54: {  	_ =	shalt  }
0x55: {  	_ =	shalt  }
0x56: {  	_ =	shalt  }
0x57: {  	_ =	shalt  }
0x58: {  	_ =	shalt  }
0x59: {  	_ =	shalt  }
0x5a: {  	_ =	shalt  }
0x5b: {  	_ =	shalt  }
0x5c: {  	_ =	shalt  }
0x5d: {  	_ =	shalt  }
0x5e: {  	_ =	shalt  }
0x5f: {  	_ =	shalt  }
0x60: {  	_ =	shalt  }
0x61: {  	_ =	shalt  }
0x62: {  	_ =	shalt  }
0x63: {  	_ =	shalt  }
0x64: {  	_ =	shalt  }
0x65: {  	_ =	shalt  }
0x66: {  	_ =	shalt  }
0x67: {  	_ =	shalt  }
0x68: {  	_ =	shalt  }
0x69: {  	_ =	shalt  }
0x6a: {  	_ =	shalt  }
0x6b: {  	_ =	shalt  }
0x6c: {  	_ =	shalt  }
0x6d: {  	_ =	shalt  }
0x6e: {  	_ =	shalt  }
0x6f: {  	_ =	shalt  }
0x70: {  	_ =	shalt  }
0x71: {  	_ =	shalt  }
0x72: {  	_ =	shalt  }
0x73: {  	_ =	shalt  }
0x74: {  	_ =	shalt  }
0x75: {  	_ =	shalt  }
0x76: {  	_ =	shalt  }
0x77: {  	_ =	shalt  }
0x78: {  	_ =	shalt  }
0x79: {  	_ =	shalt  }
0x7a: {  	_ =	shalt  }
0x7b: {  	_ =	shalt  }
0x7c: {  	_ =	shalt  }
0x7d: {  	_ =	shalt  }
0x7e: {  	_ =	shalt  }
0x7f: {  	_ =	shalt  }
0x80: {  	_ =	shalt  }
0x81: {  	_ =	shalt  }
0x82: {  	_ =	shalt  }
0x83: {  	_ =	shalt  }
0x84: {  	_ =	shalt  }
0x85: {  	_ =	shalt  }
0x86: {  	_ =	shalt  }
0x87: {  	_ =	shalt  }
.Lfunc_end0:
.L_simem_size_0:
called_computation_lowered:
.L_overlay_start_0:
0x88: {  	s2 =	sld [smem:$0x3FD9]  }
0x89: {  	s3 =	sld [smem:$0x3FFE];
	_ =	sdelay $0x1  }
0x8a: {  	s1 =	srdreg.scid  }
0x8b: {  	s0 =	sand.u32 $0x1, s1  }
0x8c: {  	s18 =	sshll.u32 s0, $0xA;
	s2 =	sadd.s32 s3, s2  }
0x8d: {  	s2 =	sadd.s32 s2, s18  }
0x8e: {  	[smem:$0x3FC6] =	sst s2  }
0x8f: {  	_ = 	snop  }
0x90: {  	s2 =	sld [smem:$0x3FC9]  }
0x91: {  	s19 =	sld [smem:$0x3FC8]  }
0x92: {  	s4 =	sld [smem:$0x3FD0];
	(tm) =	ssettm $0x1  }
0x93: {  	s5 =	sld [smem:$0x3FFB];
	_ =	sdelay $0x3  }
0x94: {  	_ =	strace s5  }
0x95: {  	s5 =	sld [smem:$0x3FFC];
	_ =	sdelay $0x3  }
0x96: {  	_ =	strace s5  }
0x97: {  	s5 =	sld [smem:$0x3FFD];
	_ =	sdelay $0x3  }
0x98: {  	_ =	strace s5  }
0x99: {  	_ =	strace $0x8FFFFFFF  }
0x9a: {  	s20 =	sld [smem:$0x3FDB];
	_ =	sdelay $0x1  }
0x9b: {  	s6 =	simm.s32 $_scs_section_size  }
0x9c: {  	s7 =	simm.s32 $_size__tile_overlayer_lowered;
	s8 =	simm.s32 $_tile_overlayer_lowered  }
0x9d: {  	s23 =	simm.s32 $0x1BFF;
	s22 =	sshll.u32 s8, $0x1;
	s5 =	sadd.s32 s6, s20  }
0x9e: {  	s9 =	simm.s32 $0x0;
	s21 =	sshll.u32 s7, $0x1;
	s7 =	sadd.s32 s22, s5  }
0x9f: {  	[timem:s9], [sflag:s23] =	dma.local [hbm:s7], s21  }
0xa0: {  	_ =	swait.ge [sflag:s23], s21  }
0xa1: {  	s6 =	ssub.s32 $0x0, s21;
	[sflag:s23] =	ssyncset.done $0x0  }
0xa2: {  	[sflag:s23] =	ssyncadd.s32 s6;
	_ =	sdelay $0x1  }
0xa3: {  	s24 =	simm.s32 $0x1B8B  }
0xa4: {  	_ =	swait.ge [sflag:s24], $0x1  }
0xa5: {  	[sflag:s24] =	ssyncset.done $0x0  }
0xa6: {  	s25 =	simm.s32 $0x1B8E;
	[sflag:s24] =	ssyncadd.s32 $0xFFFFFFFF  }
0xa7: {  	s26 =	simm.s32 $execute0_lowered;
	[smem:$0x3FD2] =	sst s25  }
0xa8: {  	s6 =	sshll.u32 s26, $0x1;
	_ =	strace $0x80000046;
	[dreg:$0x1] =	wrdreg $0xFFFFFFFF  }
0xa9: {  	s28 =	simm.s32 $_size_execute0_lowered;
	s5 =	sadd.s32 s5, s6;
	[dreg:$0x0] =	wrdreg $0x0  }
0xaa: {  	s6 =	sshll.u32 s28, $0x1;
	[dreg:$0x2] =	wrdreg s5  }
0xab: {  	[dreg:$0x3] =	wrdreg s6  }
0xac: {  	[dreg:$0x4] =	wrdreg $0xC0  }
0xad: {  	_ =	task [dreg:s9], $0x5FFFF  }
0xae: {  	[dreg:$0x1] =	wrdreg $0xFFFFFFFF  }
0xaf: {  	[dreg:$0x0] =	wrdreg $0x60  }
0xb0: {  	[dreg:$0x2] =	wrdreg s2  }
0xb1: {  	[dreg:$0x3] =	wrdreg s19  }
0xb2: {  	[dreg:$0x4] =	wrdreg s4  }
0xb3: {  	[dreg:$0x5] =	wrdreg $0x9  }
0xb4: {  	_ =	task.clear_ibuf [dreg:s9], $0x6FFFF;
	_ =	strace $0x90000046  }
0xb5: {  	s29 =	simm.s32 $0x9;
	_ =	strace $0x80000048  }
0xb6: {  	_ =	swait.ge [sflag:s29], $0x1  }
0xb7: {  	[sflag:s29] =	ssyncadd.s32 $0xFFFFFFFF  }
0xb8: {  	_ =	strace $0x90000048  }
0xb9: {  	_ =	sfence  }
0xba: {  	s30 =	sld [smem:$0x0];
	_ =	sdelay $0x2  }
0xbb: {  	s31 =	sshll.u32 s1, $0xD;
	s1 =	sshrl.u32 s1, $0x2  }
0xbc: {  	s3 =	sand.u32 $0x4000, s31;
	s1 =	sadd.s32 s1, s30  }
0xbd: {  	s0 =	sor.u32 s3, s0;
	s1 =	sshll.u32 s1, $0x11  }
0xbe: {  	s0 =	sor.u32 s1, s0  }
0xbf: {  	s0 =	sadd.s32 $0x8F2B, s0  }
0xc0: {  	[sflag:s0] =	ssyncadd.remote.s32 $0x1  }
0xc1: {  	_ =	sfence.sel $0xFFFF  }
0xc2: {  	[dreg:$0x0] =	wrdreg $0xFFFFFFFF;
	(pc) =	sbr.abs _section_cstart, $3  }
0xc3: {  	[dreg:$0x1] =	wrdreg $0xFFFFFFFF  }
0xc4: {  	_ =	task.clear_ibuf [dreg:s9], $0x2FFFF;
	_ =	strace $0x9FFFFFFF  }
0xc5: {  	(tm) =	ssettm $0x7FFFFFFF  }
tec
execute0_lowered:
.L_overlay_start_1:
0x0: {  	(tag) =	ssettag $0x1  }
0x1: {  	s0 =	rddreg [dreg:$0x0]  }
0x2: {  	s1 =	rddreg [dreg:$0x1]  }
0x3: {  	s2 =	rddreg [dreg:$0x2]  }
0x4: {  	s4 =	srdreg.scid;
	s3 =	simm.s32 $0x0;
	s7 =	stileid.u32  }
0x5: {  	s13 =	simm.s32 $0x400;
	s14 =	simm.s32 $0x20000;
	s15 =	simm.s32 $0x80  }
0x6: {  	s16 =	simm.s32 $0x6480;
	s17 =	simm.s32 $0x5;
	s18 =	simm.s32 $0x1  }
0x7: {  	s19 =	simm.s32 $0xC880;
	s20 =	simm.s32 $0x2;
	s21 =	simm.s32 $0x12C80  }
0x8: {  	s22 =	simm.s32 $0x3;
	s23 =	simm.s32 $0x4;
	s4 =	sand.u32 $0x1, s4  }
0x9: {  	s24 =	simm.s32 $0x0;
	[smem:$0x7FF] =	sst s3;
	s5 =	ssub.s32 $0x2, s4  }
0xa: {  	s7 =	sshll.u32 s7, $0xA;
	s4 =	sshll.u32 s4, $0x9;
	s6 =	sshrl.u32 s5, $0x1  }
0xb: {  	_ =	strace $0x80000047;
	s7 =	sor.u32 s4, s7;
	s12 =	ssub.s32 s5, s6  }
0xc: {  	v0 =	vlaneseq.u32;
	s4 =	sadd.s32 s0, s7;
	s9 =	sor.u32 $0x80, s7;
	s10 =	sor.u32 $0x100, s7  }
0xd: {  	v1 =	vor.u32 $0x10, v0;
	s11 =	sor.u32 $0x180, s7;
	s7 =	sadd.s32 s2, s7;
	s5 =	sadd.s32 s0, s9  }
0xe: {  	v2 =	vor.u32 $0x20, v0;
	v3 =	vor.u32 $0x30, v0;
	v4 =	vor.u32 $0x40, v0;
	s6 =	sadd.s32 s0, s10;
	s8 =	sadd.s32 s0, s11;
	s9 =	sadd.s32 s2, s9  }
0xf: {  	v5 =	vor.u32 $0x50, v0;
	v6 =	vor.u32 $0x60, v0;
	v7 =	vor.u32 $0x70, v0;
	s10 =	sadd.s32 s2, s10;
	s11 =	sadd.s32 s2, s11;
	s12 =	smax.u32 s12, $0x1  }
.LBB2_1:
0x10: {  	[tilespmem:s15], [sflag:$0x1] =	stream.strided.gather [hbm4b:s4+s13], $0x6400, s14, s13, $0x38;
	[tilespmem:$0x19080] =	vst v63  }
0x11: {  	_ = 	snop  }
0x12: {  	[tilespmem:s16], [sflag:$0x2] =	stream.strided.gather [hbm4b:s5+s13], $0x6400, s14, s13, $0x38;
	[tilespmem:$0x19080] =	vst v63  }
0x13: {  	_ = 	snop  }
0x14: {  	[tilespmem:s3], [sflag:$0x5] =	stream.linear.gather [hbm4b:s1+s3], $0x78, $0x38;
	[tilespmem:$0x19080] =	vst v63  }
0x15: {  	s29 =	simm.s32 $0x0;
	_ =	swait.ge [sflag:s17], $0x78  }
0x16: {  	s31 =	simm.s32 $0x80;
	v8 =	vor.u32 s29, v0;
	[sflag:s17] =	ssyncset.done $0x0  }
0x17: {  	v9 =	vor.u32 s31, v0;
	[sflag:s17] =	ssyncadd.s32 $0xFFFFFF88  }
0x18: {  	_ =	swait.ge [sflag:s18], $0x6400  }
0x19: {  	[sflag:s18] =	ssyncset.done $0x0  }
0x1a: {  	[sflag:s18] =	ssyncadd.s32 $0xFFFF9C00  }
0x1b: {  	v10 =	vld.idx.msk [tilespmem:v8+s15+$0x0], $0xffff  }
0x1c: {  	v11 =	vld.idx.msk [tilespmem:v9+s15+$0x0], $0xffff;
	_ =	sdelay $0x6  }
0x1d: {  	v10 =	vld.idx.msk [tilespmem:v10+s3+$0x0], $0xffff  }
0x1e: {  	v12 =	vor.u32 s29, v1;
	v11 =	vld.idx.msk [tilespmem:v11+s3+$0x0], $0xffff  }
0x1f: {  	v13 =	vor.u32 s31, v1;
	_ =	sdelay $0x2  }
0x20: {  	[tilespmem:v8+s19+$0x0] =	vst.idx.msk $0xffff, v10  }
0x21: {  	[tilespmem:v9+s19+$0x0] =	vst.idx.msk $0xffff, v11;
	v8 =	vld.idx.msk [tilespmem:v12+s15+$0x0], $0xffff  }
0x22: {  	v9 =	vld.idx.msk [tilespmem:v13+s15+$0x0], $0xffff;
	_ =	sdelay $0x5  }
0x23: {  	s30 =	simm.s32 $0x100  }
0x24: {  	s25 =	simm.s32 $0x180;
	v14 =	vor.u32 s30, v0;
	v8 =	vld.idx.msk [tilespmem:v8+s3+$0x0], $0xffff  }
0x25: {  	v15 =	vor.u32 s25, v0;
	v9 =	vld.idx.msk [tilespmem:v9+s3+$0x0], $0xffff  }
0x26: {  	v10 =	vor.u32 s29, v2  }
0x27: {  	v11 =	vor.u32 s31, v2;
	_ =	sdelay $0x1  }
0x28: {  	[tilespmem:v12+s19+$0x0] =	vst.idx.msk $0xffff, v8;
	v12 =	vld.idx.msk [tilespmem:v14+s15+$0x0], $0xffff  }
0x29: {  	[tilespmem:v13+s19+$0x0] =	vst.idx.msk $0xffff, v9;
	v13 =	vld.idx.msk [tilespmem:v15+s15+$0x0], $0xffff  }
0x2a: {  	v8 =	vld.idx.msk [tilespmem:v10+s15+$0x0], $0xffff  }
0x2b: {  	v9 =	vld.idx.msk [tilespmem:v11+s15+$0x0], $0xffff;
	_ =	sdelay $0x4  }
0x2c: {  	v12 =	vld.idx.msk [tilespmem:v12+s3+$0x0], $0xffff  }
0x2d: {  	v13 =	vld.idx.msk [tilespmem:v13+s3+$0x0], $0xffff  }
0x2e: {  	v18 =	vor.u32 s30, v1;
	v8 =	vld.idx.msk [tilespmem:v8+s3+$0x0], $0xffff  }
0x2f: {  	v19 =	vor.u32 s25, v1;
	v9 =	vld.idx.msk [tilespmem:v9+s3+$0x0], $0xffff  }
0x30: {  	v16 =	vor.u32 s29, v3  }
0x31: {  	[tilespmem:v14+s19+$0x0] =	vst.idx.msk $0xffff, v12  }
0x32: {  	v17 =	vor.u32 s31, v3;
	[tilespmem:v15+s19+$0x0] =	vst.idx.msk $0xffff, v13  }
0x33: {  	[tilespmem:v10+s19+$0x0] =	vst.idx.msk $0xffff, v8;
	v10 =	vld.idx.msk [tilespmem:v18+s15+$0x0], $0xffff  }
0x34: {  	[tilespmem:v11+s19+$0x0] =	vst.idx.msk $0xffff, v9;
	v11 =	vld.idx.msk [tilespmem:v19+s15+$0x0], $0xffff  }
0x35: {  	v8 =	vld.idx.msk [tilespmem:v16+s15+$0x0], $0xffff;
	_ =	sdelay $0x1  }
0x36: {  	v9 =	vld.idx.msk [tilespmem:v17+s15+$0x0], $0xffff;
	_ =	sdelay $0x3  }
0x37: {  	v10 =	vld.idx.msk [tilespmem:v10+s3+$0x0], $0xffff  }
0x38: {  	v11 =	vld.idx.msk [tilespmem:v11+s3+$0x0], $0xffff  }
0x39: {  	v14 =	vor.u32 s30, v2;
	v8 =	vld.idx.msk [tilespmem:v8+s3+$0x0], $0xffff  }
0x3a: {  	v15 =	vor.u32 s25, v2  }
0x3b: {  	v12 =	vor.u32 s29, v4;
	v9 =	vld.idx.msk [tilespmem:v9+s3+$0x0], $0xffff  }
0x3c: {  	s0 =	simm.s32 $0x200;
	v13 =	vor.u32 s31, v4;
	[tilespmem:v18+s19+$0x0] =	vst.idx.msk $0xffff, v10  }
0x3d: {  	s26 =	simm.s32 $0x280;
	v20 =	vor.u32 s0, v0;
	[tilespmem:v19+s19+$0x0] =	vst.idx.msk $0xffff, v11  }
0x3e: {  	[tilespmem:v16+s19+$0x0] =	vst.idx.msk $0xffff, v8;
	v8 =	vor.u32 s26, v0;
	v10 =	vld.idx.msk [tilespmem:v14+s15+$0x0], $0xffff  }
0x3f: {  	v11 =	vld.idx.msk [tilespmem:v15+s15+$0x0], $0xffff  }
0x40: {  	[tilespmem:v17+s19+$0x0] =	vst.idx.msk $0xffff, v9;
	v16 =	vld.idx.msk [tilespmem:v12+s15+$0x0], $0xffff  }
0x41: {  	v9 =	vld.idx.msk [tilespmem:v13+s15+$0x0], $0xffff  }
0x42: {  	v17 =	vld.idx.msk [tilespmem:v20+s15+$0x0], $0xffff  }
0x43: {  	v18 =	vld.idx.msk [tilespmem:v8+s15+$0x0], $0xffff;
	_ =	sdelay $0x2  }
0x44: {  	v10 =	vld.idx.msk [tilespmem:v10+s3+$0x0], $0xffff  }
0x45: {  	v22 =	vor.u32 s30, v3;
	v11 =	vld.idx.msk [tilespmem:v11+s3+$0x0], $0xffff  }
0x46: {  	v23 =	vor.u32 s25, v3;
	v16 =	vld.idx.msk [tilespmem:v16+s3+$0x0], $0xffff  }
0x47: {  	v19 =	vor.u32 s29, v5;
	v9 =	vld.idx.msk [tilespmem:v9+s3+$0x0], $0xffff  }
0x48: {  	v21 =	vor.u32 s31, v5;
	v17 =	vld.idx.msk [tilespmem:v17+s3+$0x0], $0xffff  }
0x49: {  	v24 =	vor.u32 s0, v1;
	v18 =	vld.idx.msk [tilespmem:v18+s3+$0x0], $0xffff;
	[tilespmem:v14+s19+$0x0] =	vst.idx.msk $0xffff, v10  }
0x4a: {  	[tilespmem:v15+s19+$0x0] =	vst.idx.msk $0xffff, v11;
	v10 =	vld.idx.msk [tilespmem:v22+s15+$0x0], $0xffff  }
0x4b: {  	[tilespmem:v12+s19+$0x0] =	vst.idx.msk $0xffff, v16;
	v11 =	vld.idx.msk [tilespmem:v23+s15+$0x0], $0xffff  }
0x4c: {  	v12 =	vor.u32 s26, v1;
	[tilespmem:v13+s19+$0x0] =	vst.idx.msk $0xffff, v9;
	v16 =	vld.idx.msk [tilespmem:v19+s15+$0x0], $0xffff  }
0x4d: {  	[tilespmem:v20+s19+$0x0] =	vst.idx.msk $0xffff, v17;
	v9 =	vld.idx.msk [tilespmem:v21+s15+$0x0], $0xffff  }
0x4e: {  	v13 =	vld.idx.msk [tilespmem:v24+s15+$0x0], $0xffff;
	_ =	sdelay $0x1  }
0x4f: {  	[tilespmem:v8+s19+$0x0] =	vst.idx.msk $0xffff, v18  }
0x50: {  	v8 =	vld.idx.msk [tilespmem:v12+s15+$0x0], $0xffff  }
0x51: {  	v10 =	vld.idx.msk [tilespmem:v10+s3+$0x0], $0xffff  }
0x52: {  	v11 =	vld.idx.msk [tilespmem:v11+s3+$0x0], $0xffff  }
0x53: {  	v14 =	vld.idx.msk [tilespmem:v16+s3+$0x0], $0xffff  }
0x54: {  	v18 =	vor.u32 s30, v4;
	v9 =	vld.idx.msk [tilespmem:v9+s3+$0x0], $0xffff  }
0x55: {  	v20 =	vor.u32 s25, v4;
	v13 =	vld.idx.msk [tilespmem:v13+s3+$0x0], $0xffff  }
0x56: {  	v26 =	vor.u32 s0, v2;
	[tilespmem:v22+s19+$0x0] =	vst.idx.msk $0xffff, v10  }
0x57: {  	v16 =	vor.u32 s31, v6;
	[tilespmem:v23+s19+$0x0] =	vst.idx.msk $0xffff, v11  }
0x58: {  	v15 =	vor.u32 s29, v6;
	v8 =	vld.idx.msk [tilespmem:v8+s3+$0x0], $0xffff;
	[tilespmem:v19+s19+$0x0] =	vst.idx.msk $0xffff, v14  }
0x59: {  	s2 =	simm.s32 $0x300;
	v14 =	vor.u32 s26, v2;
	[tilespmem:v21+s19+$0x0] =	vst.idx.msk $0xffff, v9;
	v21 =	vld.idx.msk [tilespmem:v18+s15+$0x0], $0xffff  }
0x5a: {  	s28 =	simm.s32 $0x380;
	[tilespmem:v24+s19+$0x0] =	vst.idx.msk $0xffff, v13;
	v9 =	vor.u32 s2, v0;
	v11 =	vld.idx.msk [tilespmem:v20+s15+$0x0], $0xffff  }
0x5b: {  	v19 =	vor.u32 s28, v0;
	v13 =	vld.idx.msk [tilespmem:v26+s15+$0x0], $0xffff  }
0x5c: {  	v10 =	vld.idx.msk [tilespmem:v16+s15+$0x0], $0xffff  }
0x5d: {  	v17 =	vld.idx.msk [tilespmem:v15+s15+$0x0], $0xffff;
	[tilespmem:v12+s19+$0x0] =	vst.idx.msk $0xffff, v8  }
0x5e: {  	v8 =	vld.idx.msk [tilespmem:v14+s15+$0x0], $0xffff  }
0x5f: {  	v12 =	vld.idx.msk [tilespmem:v9+s15+$0x0], $0xffff  }
0x60: {  	v22 =	vld.idx.msk [tilespmem:v19+s15+$0x0], $0xffff  }
0x61: {  	v21 =	vld.idx.msk [tilespmem:v21+s3+$0x0], $0xffff  }
0x62: {  	v11 =	vld.idx.msk [tilespmem:v11+s3+$0x0], $0xffff  }
0x63: {  	v13 =	vld.idx.msk [tilespmem:v13+s3+$0x0], $0xffff  }
0x64: {  	v29 =	vor.u32 s30, v5;
	v10 =	vld.idx.msk [tilespmem:v10+s3+$0x0], $0xffff  }
0x65: {  	v34 =	vor.u32 s25, v5;
	v23 =	vld.idx.msk [tilespmem:v17+s3+$0x0], $0xffff  }
0x66: {  	v17 =	vor.u32 s0, v3;
	v24 =	vld.idx.msk [tilespmem:v8+s3+$0x0], $0xffff  }
0x67: {  	v28 =	vor.u32 s31, v7;
	v12 =	vld.idx.msk [tilespmem:v12+s3+$0x0], $0xffff;
	[tilespmem:v18+s19+$0x0] =	vst.idx.msk $0xffff, v21  }
0x68: {  	v25 =	vor.u32 s26, v3;
	v30 =	vld.idx.msk [tilespmem:v22+s3+$0x0], $0xffff;
	[tilespmem:v20+s19+$0x0] =	vst.idx.msk $0xffff, v11  }
0x69: {  	v22 =	vor.u32 s2, v1;
	[tilespmem:v16+s19+$0x0] =	vst.idx.msk $0xffff, v10;
	v16 =	vld.idx.msk [tilespmem:v29+s15+$0x0], $0xffff  }
0x6a: {  	v27 =	vor.u32 s28, v1;
	[tilespmem:v26+s19+$0x0] =	vst.idx.msk $0xffff, v13;
	v11 =	vld.idx.msk [tilespmem:v34+s15+$0x0], $0xffff  }
0x6b: {  	v8 =	vor.u32 s29, v7;
	v13 =	vld.idx.msk [tilespmem:v17+s15+$0x0], $0xffff  }
0x6c: {  	v10 =	vld.idx.msk [tilespmem:v28+s15+$0x0], $0xffff;
	[tilespmem:v14+s19+$0x0] =	vst.idx.msk $0xffff, v24  }
0x6d: {  	[tilespmem:v9+s19+$0x0] =	vst.idx.msk $0xffff, v12;
	v12 =	vld.idx.msk [tilespmem:v25+s15+$0x0], $0xffff  }
0x6e: {  	[tilespmem:v19+s19+$0x0] =	vst.idx.msk $0xffff, v30;
	v20 =	vld.idx.msk [tilespmem:v22+s15+$0x0], $0xffff  }
0x6f: {  	[tilespmem:v15+s19+$0x0] =	vst.idx.msk $0xffff, v23;
	v23 =	vld.idx.msk [tilespmem:v27+s15+$0x0], $0xffff  }
0x70: {  	v26 =	vld.idx.msk [tilespmem:v8+s15+$0x0], $0xffff  }
0x71: {  	v36 =	vld.idx.msk [tilespmem:v16+s3+$0x0], $0xffff  }
0x72: {  	v37 =	vld.idx.msk [tilespmem:v11+s3+$0x0], $0xffff  }
0x73: {  	v30 =	vld.idx.msk [tilespmem:v13+s3+$0x0], $0xffff  }
0x74: {  	v35 =	vld.idx.msk [tilespmem:v10+s3+$0x0], $0xffff  }
0x75: {  	v14 =	vor.u32 s30, v6;
	v31 =	vld.idx.msk [tilespmem:v12+s3+$0x0], $0xffff  }
0x76: {  	v18 =	vor.u32 s0, v4;
	v32 =	vld.idx.msk [tilespmem:v20+s3+$0x0], $0xffff;
	v20 =	vor.u32 s25, v6  }
0x77: {  	v21 =	vor.u32 s2, v3;
	v15 =	vor.u32 s0, v5;
	v9 =	vor.u32 s30, v7;
	v33 =	vld.idx.msk [tilespmem:v23+s3+$0x0], $0xffff  }
0x78: {  	v24 =	vor.u32 s2, v2;
	v19 =	vor.u32 s2, v4;
	[tilespmem:v29+s19+$0x0] =	vst.idx.msk $0xffff, v36;
	v23 =	vld.idx.msk [tilespmem:v26+s3+$0x0], $0xffff;
	v26 =	vor.u32 s26, v4  }
0x79: {  	v16 =	vor.u32 s2, v5;
	v13 =	vor.u32 s2, v6;
	v11 =	vor.u32 s2, v7;
	[tilespmem:v34+s19+$0x0] =	vst.idx.msk $0xffff, v37  }
0x7a: {  	s29 =	simm.s32 $0x400;
	s30 =	simm.s32 $0xA;
	v10 =	vor.u32 s0, v7;
	v12 =	vor.u32 s0, v6;
	v29 =	vor.u32 s28, v2;
	[tilespmem:v28+s19+$0x0] =	vst.idx.msk $0xffff, v35;
	v28 =	vld.idx.msk [tilespmem:v14+s15+$0x0], $0xffff  }
.LBB2_2:
0x7b: {  	p0 =	slt.u32 s30, $0xC6;
	v34 =	vor.u32 s29, v0;
	v35 =	vor.u32 s29, v1;
	v36 =	vor.u32 s29, v2;
	s0 =	sadd.s32 $0x80, s29;
	[tilespmem:v17+s19+$0x0] =	vst.idx.msk $0xffff, v30;
	v30 =	vld.idx.msk [tilespmem:v20+s15+$0x0], $0xffff;
	v17 =	vmovc v21  }
0x7c: {  	v21 =	vor.u32 s29, v3;
	v37 =	vor.u32 s29, v4;
	v38 =	vor.u32 s0, v0;
	v39 =	vld.idx.msk [tilespmem:v18+s15+$0x0], $0xffff;
	[tilespmem:v25+s19+$0x0] =	vst.idx.msk $0xffff, v31  }
0x7d: {  	v40 =	vor.u32 s29, v5;
	v25 =	vor.u32 s29, v6;
	v31 =	vor.u32 s29, v7;
	[tilespmem:v22+s19+$0x0] =	vst.idx.msk $0xffff, v32;
	v32 =	vld.idx.msk [tilespmem:v26+s15+$0x0], $0xffff;
	v22 =	vmovc v35  }
0x7e: {  	v35 =	vld.idx.msk [tilespmem:v24+s15+$0x0], $0xffff;
	[tilespmem:v27+s19+$0x0] =	vst.idx.msk $0xffff, v33  }
0x7f: {  	v27 =	vld.idx.msk [tilespmem:v29+s15+$0x0], $0xffff;
	[tilespmem:v8+s19+$0x0] =	vst.idx.msk $0xffff, v23;
	v8 =	vmovc v9;
	v9 =	vmov v10;
	v10 =	vmov v11;
	v11 =	vmov v31  }
0x80: {  	v23 =	vld.idx.msk [tilespmem:v34+s15+$0x0], $0xffff  }
0x81: {  	v31 =	vld.idx.msk [tilespmem:v38+s15+$0x0], $0xffff  }
0x82: {  	v28 =	vld.idx.msk [tilespmem:v28+s3+$0x0], $0xffff  }
0x83: {  	v30 =	vld.idx.msk [tilespmem:v30+s3+$0x0], $0xffff  }
0x84: {  	v33 =	vld.idx.msk [tilespmem:v39+s3+$0x0], $0xffff  }
0x85: {  	v39 =	vor.u32 s25, v7;
	s25 =	smov.u32 s26;
	s26 =	smov.u32 s28;
	s28 =	smov.u32 s0;
	v32 =	vld.idx.msk [tilespmem:v32+s3+$0x0], $0xffff  }
0x86: {  	v35 =	vld.idx.msk [tilespmem:v35+s3+$0x0], $0xffff  }
0x87: {  	v42 =	vor.u32 s25, v5;
	v41 =	vld.idx.msk [tilespmem:v27+s3+$0x0], $0xffff  }
0x88: {  	v23 =	vld.idx.msk [tilespmem:v23+s3+$0x0], $0xffff;
	[tilespmem:v14+s19+$0x0] =	vst.idx.msk $0xffff, v28;
	v14 =	vmov v12;
	v12 =	vmov v13;
	v13 =	vmov v25  }
0x89: {  	v25 =	vor.u32 s26, v3;
	v28 =	vld.idx.msk [tilespmem:v31+s3+$0x0], $0xffff;
	[tilespmem:v20+s19+$0x0] =	vst.idx.msk $0xffff, v30  }
0x8a: {  	[tilespmem:v18+s19+$0x0] =	vst.idx.msk $0xffff, v33;
	v20 =	vld.idx.msk [tilespmem:v39+s15+$0x0], $0xffff;
	v18 =	vmov v19;
	v19 =	vmov v37  }
0x8b: {  	v27 =	vor.u32 s28, v1;
	v30 =	vld.idx.msk [tilespmem:v15+s15+$0x0], $0xffff;
	[tilespmem:v26+s19+$0x0] =	vst.idx.msk $0xffff, v32  }
0x8c: {  	[tilespmem:v24+s19+$0x0] =	vst.idx.msk $0xffff, v35;
	v26 =	vld.idx.msk [tilespmem:v42+s15+$0x0], $0xffff;
	v24 =	vmov v36  }
0x8d: {  	v31 =	vld.idx.msk [tilespmem:v17+s15+$0x0], $0xffff;
	[tilespmem:v29+s19+$0x0] =	vst.idx.msk $0xffff, v41  }
0x8e: {  	[tilespmem:v34+s19+$0x0] =	vst.idx.msk $0xffff, v23;
	v23 =	vld.idx.msk [tilespmem:v25+s15+$0x0], $0xffff  }
0x8f: {  	v29 =	vld.idx.msk [tilespmem:v22+s15+$0x0], $0xffff;
	[tilespmem:v38+s19+$0x0] =	vst.idx.msk $0xffff, v28  }
0x90: {  	v28 =	vld.idx.msk [tilespmem:v27+s15+$0x0], $0xffff  }
0x91: {  	v34 =	vld.idx.msk [tilespmem:v8+s15+$0x0], $0xffff  }
0x92: {  	v35 =	vld.idx.msk [tilespmem:v20+s3+$0x0], $0xffff  }
0x93: {  	v36 =	vld.idx.msk [tilespmem:v30+s3+$0x0], $0xffff  }
0x94: {  	v37 =	vld.idx.msk [tilespmem:v26+s3+$0x0], $0xffff  }
0x95: {  	v30 =	vld.idx.msk [tilespmem:v31+s3+$0x0], $0xffff  }
.Ltmp0:
0x96: {  	v20 =	vor.u32 s25, v6;
	v31 =	vld.idx.msk [tilespmem:v23+s3+$0x0], $0xffff;
	(pc) =	sbr.rel @p0 .LBB2_2-.Ltmp0, $4  }
0x97: {  	v32 =	vld.idx.msk [tilespmem:v29+s3+$0x0], $0xffff  }
0x98: {  	v26 =	vor.u32 s26, v4;
	v33 =	vld.idx.msk [tilespmem:v28+s3+$0x0], $0xffff;
	[tilespmem:v39+s19+$0x0] =	vst.idx.msk $0xffff, v35  }
0x99: {  	[tilespmem:v15+s19+$0x0] =	vst.idx.msk $0xffff, v36;
	v23 =	vld.idx.msk [tilespmem:v34+s3+$0x0], $0xffff;
	v15 =	vmov v16;
	v16 =	vmov v40  }
0x9a: {  	s29 =	sshll.u32 s30, $0x7;
	s30 =	sadd.s32 $0x2, s30;
	v29 =	vor.u32 s28, v2;
	v28 =	vld.idx.msk [tilespmem:v14+s15+$0x0], $0xffff;
	[tilespmem:v42+s19+$0x0] =	vst.idx.msk $0xffff, v37  }
0x9b: {  	v35 =	vor.u32 s29, v0;
	_ =	sdelay $0x1  }
0x9c: {  	s30 =	sadd.s32 $0x80, s29  }
0x9d: {  	v34 =	vor.u32 s30, v0;
	_ =	sdelay $0x1  }
0x9e: {  	v37 =	vld.idx.msk [tilespmem:v35+s15+$0x0], $0xffff;
	_ =	sdelay $0x2  }
0x9f: {  	v36 =	vld.idx.msk [tilespmem:v34+s15+$0x0], $0xffff;
	_ =	sdelay $0x4  }
0xa0: {  	v37 =	vld.idx.msk [tilespmem:v37+s3+$0x0], $0xffff  }
0xa1: {  	v39 =	vor.u32 s29, v1;
	_ =	sdelay $0x1  }
0xa2: {  	v36 =	vld.idx.msk [tilespmem:v36+s3+$0x0], $0xffff  }
0xa3: {  	v38 =	vor.u32 s30, v1  }
0xa4: {  	[tilespmem:v35+s19+$0x0] =	vst.idx.msk $0xffff, v37  }
0xa5: {  	v35 =	vld.idx.msk [tilespmem:v39+s15+$0x0], $0xffff;
	_ =	sdelay $0x1  }
0xa6: {  	[tilespmem:v34+s19+$0x0] =	vst.idx.msk $0xffff, v36  }
0xa7: {  	v34 =	vld.idx.msk [tilespmem:v38+s15+$0x0], $0xffff  }
0xa8: {  	[tilespmem:v22+s19+$0x0] =	vst.idx.msk $0xffff, v32  }
0xa9: {  	[tilespmem:v27+s19+$0x0] =	vst.idx.msk $0xffff, v33;
	v27 =	vld.idx.msk [tilespmem:v24+s15+$0x0], $0xffff;
	_ =	sdelay $0x1  }
0xaa: {  	v22 =	vld.idx.msk [tilespmem:v29+s15+$0x0], $0xffff  }
0xab: {  	v35 =	vld.idx.msk [tilespmem:v35+s3+$0x0], $0xffff  }
0xac: {  	v50 =	vor.u32 s29, v2;
	_ =	sdelay $0x1  }
0xad: {  	v34 =	vld.idx.msk [tilespmem:v34+s3+$0x0], $0xffff  }
0xae: {  	v49 =	vor.u32 s30, v2  }
0xaf: {  	v27 =	vld.idx.msk [tilespmem:v27+s3+$0x0], $0xffff;
	[tilespmem:v39+s19+$0x0] =	vst.idx.msk $0xffff, v35  }
0xb0: {  	v52 =	vld.idx.msk [tilespmem:v50+s15+$0x0], $0xffff  }
0xb1: {  	v22 =	vld.idx.msk [tilespmem:v22+s3+$0x0], $0xffff  }
0xb2: {  	v53 =	vor.u32 s28, v3;
	[tilespmem:v38+s19+$0x0] =	vst.idx.msk $0xffff, v34  }
0xb3: {  	v51 =	vld.idx.msk [tilespmem:v49+s15+$0x0], $0xffff;
	_ =	sdelay $0x1  }
0xb4: {  	[tilespmem:v24+s19+$0x0] =	vst.idx.msk $0xffff, v27  }
0xb5: {  	[tilespmem:v29+s19+$0x0] =	vst.idx.msk $0xffff, v22;
	v24 =	vld.idx.msk [tilespmem:v21+s15+$0x0], $0xffff  }
0xb6: {  	v22 =	vld.idx.msk [tilespmem:v53+s15+$0x0], $0xffff  }
0xb7: {  	v33 =	vld.idx.msk [tilespmem:v52+s3+$0x0], $0xffff  }
0xb8: {  	v55 =	vor.u32 s29, v3;
	_ =	sdelay $0x1  }
0xb9: {  	[tilespmem:v25+s19+$0x0] =	vst.idx.msk $0xffff, v31;
	v32 =	vld.idx.msk [tilespmem:v51+s3+$0x0], $0xffff  }
0xba: {  	[tilespmem:v17+s19+$0x0] =	vst.idx.msk $0xffff, v30;
	v54 =	vor.u32 s30, v3;
	v30 =	vld.idx.msk [tilespmem:v26+s15+$0x0], $0xffff  }
0xbb: {  	v31 =	vld.idx.msk [tilespmem:v18+s15+$0x0], $0xffff;
	[tilespmem:v50+s19+$0x0] =	vst.idx.msk $0xffff, v33  }
0xbc: {  	v29 =	vld.idx.msk [tilespmem:v55+s15+$0x0], $0xffff  }
0xbd: {  	v24 =	vld.idx.msk [tilespmem:v24+s3+$0x0], $0xffff  }
0xbe: {  	v22 =	vld.idx.msk [tilespmem:v22+s3+$0x0], $0xffff;
	[tilespmem:v49+s19+$0x0] =	vst.idx.msk $0xffff, v32  }
0xbf: {  	v27 =	vld.idx.msk [tilespmem:v54+s15+$0x0], $0xffff;
	_ =	sdelay $0x1  }
0xc0: {  	v56 =	vor.u32 s28, v4  }
0xc1: {  	v30 =	vld.idx.msk [tilespmem:v30+s3+$0x0], $0xffff;
	[tilespmem:v21+s19+$0x0] =	vst.idx.msk $0xffff, v24  }
0xc2: {  	[tilespmem:v53+s19+$0x0] =	vst.idx.msk $0xffff, v22;
	v22 =	vld.idx.msk [tilespmem:v19+s15+$0x0], $0xffff  }
0xc3: {  	v25 =	vld.idx.msk [tilespmem:v29+s3+$0x0], $0xffff  }
0xc4: {  	v17 =	vor.u32 s29, v4;
	v31 =	vld.idx.msk [tilespmem:v31+s3+$0x0], $0xffff  }
0xc5: {  	v57 =	vor.u32 s26, v5;
	v21 =	vld.idx.msk [tilespmem:v56+s15+$0x0], $0xffff  }
0xc6: {  	v27 =	vld.idx.msk [tilespmem:v27+s3+$0x0], $0xffff  }
0xc7: {  	v29 =	vor.u32 s30, v4  }
0xc8: {  	[tilespmem:v55+s19+$0x0] =	vst.idx.msk $0xffff, v25  }
0xc9: {  	[tilespmem:v26+s19+$0x0] =	vst.idx.msk $0xffff, v30;
	v25 =	vld.idx.msk [tilespmem:v17+s15+$0x0], $0xffff  }
0xca: {  	[tilespmem:v18+s19+$0x0] =	vst.idx.msk $0xffff, v31;
	v18 =	vld.idx.msk [tilespmem:v57+s15+$0x0], $0xffff  }
0xcb: {  	v22 =	vld.idx.msk [tilespmem:v22+s3+$0x0], $0xffff;
	[tilespmem:v54+s19+$0x0] =	vst.idx.msk $0xffff, v27  }
0xcc: {  	v24 =	vld.idx.msk [tilespmem:v29+s15+$0x0], $0xffff  }
0xcd: {  	v21 =	vld.idx.msk [tilespmem:v21+s3+$0x0], $0xffff  }
0xce: {  	v27 =	vld.idx.msk [tilespmem:v20+s15+$0x0], $0xffff  }
0xcf: {  	v31 =	vld.idx.msk [tilespmem:v15+s15+$0x0], $0xffff  }
0xd0: {  	v58 =	vor.u32 s28, v5  }
0xd1: {  	v25 =	vld.idx.msk [tilespmem:v25+s3+$0x0], $0xffff  }
0xd2: {  	v18 =	vld.idx.msk [tilespmem:v18+s3+$0x0], $0xffff;
	[tilespmem:v19+s19+$0x0] =	vst.idx.msk $0xffff, v22  }
0xd3: {  	v30 =	vor.u32 s29, v5;
	[tilespmem:v56+s19+$0x0] =	vst.idx.msk $0xffff, v21;
	v21 =	vld.idx.msk [tilespmem:v16+s15+$0x0], $0xffff  }
0xd4: {  	v24 =	vld.idx.msk [tilespmem:v24+s3+$0x0], $0xffff  }
0xd5: {  	v26 =	vor.u32 s30, v5;
	v19 =	vld.idx.msk [tilespmem:v58+s15+$0x0], $0xffff  }
0xd6: {  	[tilespmem:v17+s19+$0x0] =	vst.idx.msk $0xffff, v25;
	v25 =	vld.idx.msk [tilespmem:v27+s3+$0x0], $0xffff  }
0xd7: {  	v27 =	vld.idx.msk [tilespmem:v31+s3+$0x0], $0xffff  }
0xd8: {  	v22 =	vld.idx.msk [tilespmem:v30+s15+$0x0], $0xffff  }
0xd9: {  	[tilespmem:v29+s19+$0x0] =	vst.idx.msk $0xffff, v24;
	v24 =	vld.idx.msk [tilespmem:v28+s3+$0x0], $0xffff;
	v28 =	vor.u32 s26, v6  }
0xda: {  	v17 =	vld.idx.msk [tilespmem:v26+s15+$0x0], $0xffff;
	_ =	sdelay $0x1  }
0xdb: {  	v21 =	vld.idx.msk [tilespmem:v21+s3+$0x0], $0xffff  }
0xdc: {  	[tilespmem:v57+s19+$0x0] =	vst.idx.msk $0xffff, v18;
	v19 =	vld.idx.msk [tilespmem:v19+s3+$0x0], $0xffff  }
0xdd: {  	[tilespmem:v15+s19+$0x0] =	vst.idx.msk $0xffff, v27;
	v15 =	vld.idx.msk [tilespmem:v28+s15+$0x0], $0xffff;
	_ =	sdelay $0x1  }
0xde: {  	v29 =	vor.u32 s28, v6;
	v59 =	vld.idx.msk [tilespmem:v12+s15+$0x0], $0xffff  }
0xdf: {  	v18 =	vld.idx.msk [tilespmem:v22+s3+$0x0], $0xffff  }
0xe0: {  	[tilespmem:v16+s19+$0x0] =	vst.idx.msk $0xffff, v21;
	v31 =	vor.u32 s29, v6;
	v17 =	vld.idx.msk [tilespmem:v17+s3+$0x0], $0xffff  }
0xe1: {  	[tilespmem:v58+s19+$0x0] =	vst.idx.msk $0xffff, v19;
	v19 =	vld.idx.msk [tilespmem:v13+s15+$0x0], $0xffff;
	v22 =	vor.u32 s30, v6;
	_ =	sdelay $0x1  }
0xe2: {  	v16 =	vld.idx.msk [tilespmem:v29+s15+$0x0], $0xffff  }
0xe3: {  	[tilespmem:v30+s19+$0x0] =	vst.idx.msk $0xffff, v18;
	v15 =	vld.idx.msk [tilespmem:v15+s3+$0x0], $0xffff  }
0xe4: {  	[tilespmem:v26+s19+$0x0] =	vst.idx.msk $0xffff, v17;
	v18 =	vld.idx.msk [tilespmem:v31+s15+$0x0], $0xffff  }
0xe5: {  	v17 =	vld.idx.msk [tilespmem:v22+s15+$0x0], $0xffff  }
0xe6: {  	[tilespmem:v14+s19+$0x0] =	vst.idx.msk $0xffff, v24;
	v24 =	vor.u32 s26, v7;
	v21 =	vld.idx.msk [tilespmem:v59+s3+$0x0], $0xffff;
	_ =	sdelay $0x1  }
0xe7: {  	v19 =	vld.idx.msk [tilespmem:v19+s3+$0x0], $0xffff  }
0xe8: {  	v27 =	vor.u32 s25, v7;
	[tilespmem:v20+s19+$0x0] =	vst.idx.msk $0xffff, v25;
	v20 =	vld.idx.msk [tilespmem:v9+s15+$0x0], $0xffff  }
0xe9: {  	v16 =	vld.idx.msk [tilespmem:v16+s3+$0x0], $0xffff;
	[tilespmem:v28+s19+$0x0] =	vst.idx.msk $0xffff, v15  }
0xea: {  	v25 =	vor.u32 s28, v7;
	[tilespmem:v12+s19+$0x0] =	vst.idx.msk $0xffff, v21;
	v12 =	vld.idx.msk [tilespmem:v24+s15+$0x0], $0xffff  }
0xeb: {  	v15 =	vld.idx.msk [tilespmem:v18+s3+$0x0], $0xffff  }
0xec: {  	v26 =	vor.u32 s29, v7;
	v17 =	vld.idx.msk [tilespmem:v17+s3+$0x0], $0xffff  }
0xed: {  	v14 =	vld.idx.msk [tilespmem:v27+s15+$0x0], $0xffff;
	v18 =	vor.u32 s30, v7  }
0xee: {  	[tilespmem:v29+s19+$0x0] =	vst.idx.msk $0xffff, v16;
	v21 =	vld.idx.msk [tilespmem:v10+s15+$0x0], $0xffff  }
0xef: {  	[tilespmem:v13+s19+$0x0] =	vst.idx.msk $0xffff, v19;
	v13 =	vld.idx.msk [tilespmem:v25+s15+$0x0], $0xffff  }
0xf0: {  	v16 =	vld.idx.msk [tilespmem:v11+s15+$0x0], $0xffff;
	[tilespmem:v31+s19+$0x0] =	vst.idx.msk $0xffff, v15  }
0xf1: {  	[tilespmem:v22+s19+$0x0] =	vst.idx.msk $0xffff, v17;
	v17 =	vld.idx.msk [tilespmem:v26+s15+$0x0], $0xffff  }
0xf2: {  	v15 =	vld.idx.msk [tilespmem:v18+s15+$0x0], $0xffff  }
0xf3: {  	v19 =	vld.idx.msk [tilespmem:v20+s3+$0x0], $0xffff  }
0xf4: {  	v12 =	vld.idx.msk [tilespmem:v12+s3+$0x0], $0xffff  }
0xf5: {  	v14 =	vld.idx.msk [tilespmem:v14+s3+$0x0], $0xffff  }
0xf6: {  	v20 =	vld.idx.msk [tilespmem:v21+s3+$0x0], $0xffff  }
0xf7: {  	[tilespmem:v8+s19+$0x0] =	vst.idx.msk $0xffff, v23;
	v8 =	vld.idx.msk [tilespmem:v13+s3+$0x0], $0xffff  }
0xf8: {  	[tilespmem:v9+s19+$0x0] =	vst.idx.msk $0xffff, v19;
	v13 =	vld.idx.msk [tilespmem:v16+s3+$0x0], $0xffff  }
0xf9: {  	[tilespmem:v24+s19+$0x0] =	vst.idx.msk $0xffff, v12;
	v12 =	vld.idx.msk [tilespmem:v17+s3+$0x0], $0xffff  }
0xfa: {  	[tilespmem:v27+s19+$0x0] =	vst.idx.msk $0xffff, v14;
	v9 =	vld.idx.msk [tilespmem:v15+s3+$0x0], $0xffff  }
0xfb: {  	[tilespmem:v10+s19+$0x0] =	vst.idx.msk $0xffff, v20  }
0xfc: {  	[tilespmem:v25+s19+$0x0] =	vst.idx.msk $0xffff, v8  }
0xfd: {  	[tilespmem:v11+s19+$0x0] =	vst.idx.msk $0xffff, v13  }
0xfe: {  	[tilespmem:v26+s19+$0x0] =	vst.idx.msk $0xffff, v12  }
0xff: {  	s29 =	simm.s32 $0x0;
	[tilespmem:v18+s19+$0x0] =	vst.idx.msk $0xffff, v9  }
0x100: {  	[tilespmem:s15], [sflag:$0x1] =	stream.strided.gather [hbm4b:s6+s13], $0x6400, s14, s13, $0x38;
	[tilespmem:$0x19080] =	vst v63  }
0x101: {  	s31 =	simm.s32 $0x80;
	v8 =	vor.u32 s29, v0  }
0x102: {  	v9 =	vor.u32 s31, v0;
	[hbm4b:s7+s13] =	stream.strided.scatter [tilespmem:s19], [sflag:$0x3], $0x6400, s14, s13, $0x38;
	[tilespmem:$0x19080] =	vst v63  }
0x103: {  	_ =	swait.ge [sflag:s20], $0x6400  }
0x104: {  	[sflag:s20] =	ssyncset.done $0x0  }
0x105: {  	[sflag:s20] =	ssyncadd.s32 $0xFFFF9C00  }
0x106: {  	v10 =	vld.idx.msk [tilespmem:v8+s16+$0x0], $0xffff  }
0x107: {  	v11 =	vld.idx.msk [tilespmem:v9+s16+$0x0], $0xffff;
	_ =	sdelay $0x6  }
0x108: {  	v10 =	vld.idx.msk [tilespmem:v10+s3+$0x0], $0xffff  }
0x109: {  	v12 =	vor.u32 s29, v1;
	v11 =	vld.idx.msk [tilespmem:v11+s3+$0x0], $0xffff  }
0x10a: {  	v13 =	vor.u32 s31, v1;
	_ =	sdelay $0x2  }
0x10b: {  	[tilespmem:v8+s21+$0x0] =	vst.idx.msk $0xffff, v10  }
0x10c: {  	[tilespmem:v9+s21+$0x0] =	vst.idx.msk $0xffff, v11;
	v8 =	vld.idx.msk [tilespmem:v12+s16+$0x0], $0xffff  }
0x10d: {  	v9 =	vld.idx.msk [tilespmem:v13+s16+$0x0], $0xffff;
	_ =	sdelay $0x5  }
0x10e: {  	s30 =	simm.s32 $0x100  }
0x10f: {  	s25 =	simm.s32 $0x180;
	v14 =	vor.u32 s30, v0;
	v8 =	vld.idx.msk [tilespmem:v8+s3+$0x0], $0xffff  }
0x110: {  	v15 =	vor.u32 s25, v0;
	v9 =	vld.idx.msk [tilespmem:v9+s3+$0x0], $0xffff  }
0x111: {  	v10 =	vor.u32 s29, v2  }
0x112: {  	v11 =	vor.u32 s31, v2;
	_ =	sdelay $0x1  }
0x113: {  	[tilespmem:v12+s21+$0x0] =	vst.idx.msk $0xffff, v8;
	v12 =	vld.idx.msk [tilespmem:v14+s16+$0x0], $0xffff  }
0x114: {  	[tilespmem:v13+s21+$0x0] =	vst.idx.msk $0xffff, v9;
	v13 =	vld.idx.msk [tilespmem:v15+s16+$0x0], $0xffff  }
0x115: {  	v8 =	vld.idx.msk [tilespmem:v10+s16+$0x0], $0xffff  }
0x116: {  	v9 =	vld.idx.msk [tilespmem:v11+s16+$0x0], $0xffff;
	_ =	sdelay $0x4  }
0x117: {  	v12 =	vld.idx.msk [tilespmem:v12+s3+$0x0], $0xffff  }
0x118: {  	v13 =	vld.idx.msk [tilespmem:v13+s3+$0x0], $0xffff  }
0x119: {  	v18 =	vor.u32 s30, v1;
	v8 =	vld.idx.msk [tilespmem:v8+s3+$0x0], $0xffff  }
0x11a: {  	v19 =	vor.u32 s25, v1;
	v9 =	vld.idx.msk [tilespmem:v9+s3+$0x0], $0xffff  }
0x11b: {  	v16 =	vor.u32 s29, v3  }
0x11c: {  	[tilespmem:v14+s21+$0x0] =	vst.idx.msk $0xffff, v12  }
0x11d: {  	v17 =	vor.u32 s31, v3;
	[tilespmem:v15+s21+$0x0] =	vst.idx.msk $0xffff, v13  }
0x11e: {  	[tilespmem:v10+s21+$0x0] =	vst.idx.msk $0xffff, v8;
	v10 =	vld.idx.msk [tilespmem:v18+s16+$0x0], $0xffff  }
0x11f: {  	[tilespmem:v11+s21+$0x0] =	vst.idx.msk $0xffff, v9;
	v11 =	vld.idx.msk [tilespmem:v19+s16+$0x0], $0xffff  }
0x120: {  	v8 =	vld.idx.msk [tilespmem:v16+s16+$0x0], $0xffff;
	_ =	sdelay $0x1  }
0x121: {  	v9 =	vld.idx.msk [tilespmem:v17+s16+$0x0], $0xffff;
	_ =	sdelay $0x3  }
0x122: {  	v10 =	vld.idx.msk [tilespmem:v10+s3+$0x0], $0xffff  }
0x123: {  	v11 =	vld.idx.msk [tilespmem:v11+s3+$0x0], $0xffff  }
0x124: {  	v14 =	vor.u32 s30, v2;
	v8 =	vld.idx.msk [tilespmem:v8+s3+$0x0], $0xffff  }
0x125: {  	v15 =	vor.u32 s25, v2  }
0x126: {  	v12 =	vor.u32 s29, v4;
	v9 =	vld.idx.msk [tilespmem:v9+s3+$0x0], $0xffff  }
0x127: {  	s0 =	simm.s32 $0x200;
	v13 =	vor.u32 s31, v4;
	[tilespmem:v18+s21+$0x0] =	vst.idx.msk $0xffff, v10  }
0x128: {  	s26 =	simm.s32 $0x280;
	v20 =	vor.u32 s0, v0;
	[tilespmem:v19+s21+$0x0] =	vst.idx.msk $0xffff, v11  }
0x129: {  	[tilespmem:v16+s21+$0x0] =	vst.idx.msk $0xffff, v8;
	v8 =	vor.u32 s26, v0;
	v10 =	vld.idx.msk [tilespmem:v14+s16+$0x0], $0xffff  }
0x12a: {  	v11 =	vld.idx.msk [tilespmem:v15+s16+$0x0], $0xffff  }
0x12b: {  	[tilespmem:v17+s21+$0x0] =	vst.idx.msk $0xffff, v9;
	v16 =	vld.idx.msk [tilespmem:v12+s16+$0x0], $0xffff  }
0x12c: {  	v9 =	vld.idx.msk [tilespmem:v13+s16+$0x0], $0xffff  }
0x12d: {  	v17 =	vld.idx.msk [tilespmem:v20+s16+$0x0], $0xffff  }
0x12e: {  	v18 =	vld.idx.msk [tilespmem:v8+s16+$0x0], $0xffff;
	_ =	sdelay $0x2  }
0x12f: {  	v10 =	vld.idx.msk [tilespmem:v10+s3+$0x0], $0xffff  }
0x130: {  	v22 =	vor.u32 s30, v3;
	v11 =	vld.idx.msk [tilespmem:v11+s3+$0x0], $0xffff  }
0x131: {  	v23 =	vor.u32 s25, v3;
	v16 =	vld.idx.msk [tilespmem:v16+s3+$0x0], $0xffff  }
0x132: {  	v19 =	vor.u32 s29, v5;
	v9 =	vld.idx.msk [tilespmem:v9+s3+$0x0], $0xffff  }
0x133: {  	v21 =	vor.u32 s31, v5;
	v17 =	vld.idx.msk [tilespmem:v17+s3+$0x0], $0xffff  }
0x134: {  	v24 =	vor.u32 s0, v1;
	v18 =	vld.idx.msk [tilespmem:v18+s3+$0x0], $0xffff;
	[tilespmem:v14+s21+$0x0] =	vst.idx.msk $0xffff, v10  }
0x135: {  	[tilespmem:v15+s21+$0x0] =	vst.idx.msk $0xffff, v11;
	v10 =	vld.idx.msk [tilespmem:v22+s16+$0x0], $0xffff  }
0x136: {  	[tilespmem:v12+s21+$0x0] =	vst.idx.msk $0xffff, v16;
	v11 =	vld.idx.msk [tilespmem:v23+s16+$0x0], $0xffff  }
0x137: {  	v12 =	vor.u32 s26, v1;
	[tilespmem:v13+s21+$0x0] =	vst.idx.msk $0xffff, v9;
	v16 =	vld.idx.msk [tilespmem:v19+s16+$0x0], $0xffff  }
0x138: {  	[tilespmem:v20+s21+$0x0] =	vst.idx.msk $0xffff, v17;
	v9 =	vld.idx.msk [tilespmem:v21+s16+$0x0], $0xffff  }
0x139: {  	v13 =	vld.idx.msk [tilespmem:v24+s16+$0x0], $0xffff;
	_ =	sdelay $0x1  }
0x13a: {  	[tilespmem:v8+s21+$0x0] =	vst.idx.msk $0xffff, v18  }
0x13b: {  	v8 =	vld.idx.msk [tilespmem:v12+s16+$0x0], $0xffff  }
0x13c: {  	v10 =	vld.idx.msk [tilespmem:v10+s3+$0x0], $0xffff  }
0x13d: {  	v11 =	vld.idx.msk [tilespmem:v11+s3+$0x0], $0xffff  }
0x13e: {  	v14 =	vld.idx.msk [tilespmem:v16+s3+$0x0], $0xffff  }
0x13f: {  	v18 =	vor.u32 s30, v4;
	v9 =	vld.idx.msk [tilespmem:v9+s3+$0x0], $0xffff  }
0x140: {  	v20 =	vor.u32 s25, v4;
	v13 =	vld.idx.msk [tilespmem:v13+s3+$0x0], $0xffff  }
0x141: {  	v26 =	vor.u32 s0, v2;
	[tilespmem:v22+s21+$0x0] =	vst.idx.msk $0xffff, v10  }
0x142: {  	v16 =	vor.u32 s31, v6;
	[tilespmem:v23+s21+$0x0] =	vst.idx.msk $0xffff, v11  }
0x143: {  	v15 =	vor.u32 s29, v6;
	v8 =	vld.idx.msk [tilespmem:v8+s3+$0x0], $0xffff;
	[tilespmem:v19+s21+$0x0] =	vst.idx.msk $0xffff, v14  }
0x144: {  	s2 =	simm.s32 $0x300;
	v14 =	vor.u32 s26, v2;
	[tilespmem:v21+s21+$0x0] =	vst.idx.msk $0xffff, v9;
	v21 =	vld.idx.msk [tilespmem:v18+s16+$0x0], $0xffff  }
0x145: {  	s28 =	simm.s32 $0x380;
	[tilespmem:v24+s21+$0x0] =	vst.idx.msk $0xffff, v13;
	v9 =	vor.u32 s2, v0;
	v11 =	vld.idx.msk [tilespmem:v20+s16+$0x0], $0xffff  }
0x146: {  	v19 =	vor.u32 s28, v0;
	v13 =	vld.idx.msk [tilespmem:v26+s16+$0x0], $0xffff  }
0x147: {  	v10 =	vld.idx.msk [tilespmem:v16+s16+$0x0], $0xffff  }
0x148: {  	v17 =	vld.idx.msk [tilespmem:v15+s16+$0x0], $0xffff;
	[tilespmem:v12+s21+$0x0] =	vst.idx.msk $0xffff, v8  }
0x149: {  	v8 =	vld.idx.msk [tilespmem:v14+s16+$0x0], $0xffff  }
0x14a: {  	v12 =	vld.idx.msk [tilespmem:v9+s16+$0x0], $0xffff  }
0x14b: {  	v22 =	vld.idx.msk [tilespmem:v19+s16+$0x0], $0xffff  }
0x14c: {  	v21 =	vld.idx.msk [tilespmem:v21+s3+$0x0], $0xffff  }
0x14d: {  	v11 =	vld.idx.msk [tilespmem:v11+s3+$0x0], $0xffff  }
0x14e: {  	v13 =	vld.idx.msk [tilespmem:v13+s3+$0x0], $0xffff  }
0x14f: {  	v29 =	vor.u32 s30, v5;
	v10 =	vld.idx.msk [tilespmem:v10+s3+$0x0], $0xffff  }
0x150: {  	v60 =	vor.u32 s25, v5;
	v23 =	vld.idx.msk [tilespmem:v17+s3+$0x0], $0xffff  }
0x151: {  	v17 =	vor.u32 s0, v3;
	v24 =	vld.idx.msk [tilespmem:v8+s3+$0x0], $0xffff  }
0x152: {  	v28 =	vor.u32 s31, v7;
	v12 =	vld.idx.msk [tilespmem:v12+s3+$0x0], $0xffff;
	[tilespmem:v18+s21+$0x0] =	vst.idx.msk $0xffff, v21  }
0x153: {  	v25 =	vor.u32 s26, v3;
	v30 =	vld.idx.msk [tilespmem:v22+s3+$0x0], $0xffff;
	[tilespmem:v20+s21+$0x0] =	vst.idx.msk $0xffff, v11  }
0x154: {  	v22 =	vor.u32 s2, v1;
	[tilespmem:v16+s21+$0x0] =	vst.idx.msk $0xffff, v10;
	v16 =	vld.idx.msk [tilespmem:v29+s16+$0x0], $0xffff  }
0x155: {  	v27 =	vor.u32 s28, v1;
	[tilespmem:v26+s21+$0x0] =	vst.idx.msk $0xffff, v13;
	v11 =	vld.idx.msk [tilespmem:v60+s16+$0x0], $0xffff  }
0x156: {  	v8 =	vor.u32 s29, v7;
	v13 =	vld.idx.msk [tilespmem:v17+s16+$0x0], $0xffff  }
0x157: {  	v10 =	vld.idx.msk [tilespmem:v28+s16+$0x0], $0xffff;
	[tilespmem:v14+s21+$0x0] =	vst.idx.msk $0xffff, v24  }
0x158: {  	[tilespmem:v9+s21+$0x0] =	vst.idx.msk $0xffff, v12;
	v12 =	vld.idx.msk [tilespmem:v25+s16+$0x0], $0xffff  }
0x159: {  	[tilespmem:v19+s21+$0x0] =	vst.idx.msk $0xffff, v30;
	v20 =	vld.idx.msk [tilespmem:v22+s16+$0x0], $0xffff  }
0x15a: {  	[tilespmem:v15+s21+$0x0] =	vst.idx.msk $0xffff, v23;
	v23 =	vld.idx.msk [tilespmem:v27+s16+$0x0], $0xffff  }
0x15b: {  	v26 =	vld.idx.msk [tilespmem:v8+s16+$0x0], $0xffff  }
0x15c: {  	v62 =	vld.idx.msk [tilespmem:v16+s3+$0x0], $0xffff  }
0x15d: {  	v63 =	vld.idx.msk [tilespmem:v11+s3+$0x0], $0xffff  }
0x15e: {  	v30 =	vld.idx.msk [tilespmem:v13+s3+$0x0], $0xffff  }
0x15f: {  	v61 =	vld.idx.msk [tilespmem:v10+s3+$0x0], $0xffff  }
0x160: {  	v14 =	vor.u32 s30, v6;
	v31 =	vld.idx.msk [tilespmem:v12+s3+$0x0], $0xffff  }
0x161: {  	v18 =	vor.u32 s0, v4;
	v32 =	vld.idx.msk [tilespmem:v20+s3+$0x0], $0xffff;
	v20 =	vor.u32 s25, v6  }
0x162: {  	v21 =	vor.u32 s2, v3;
	v15 =	vor.u32 s0, v5;
	v9 =	vor.u32 s30, v7;
	v33 =	vld.idx.msk [tilespmem:v23+s3+$0x0], $0xffff  }
0x163: {  	v24 =	vor.u32 s2, v2;
	v19 =	vor.u32 s2, v4;
	[tilespmem:v29+s21+$0x0] =	vst.idx.msk $0xffff, v62;
	v23 =	vld.idx.msk [tilespmem:v26+s3+$0x0], $0xffff;
	v26 =	vor.u32 s26, v4  }
0x164: {  	v16 =	vor.u32 s2, v5;
	v13 =	vor.u32 s2, v6;
	v11 =	vor.u32 s2, v7;
	[tilespmem:v60+s21+$0x0] =	vst.idx.msk $0xffff, v63  }
0x165: {  	s29 =	simm.s32 $0x400;
	s30 =	simm.s32 $0xA;
	v10 =	vor.u32 s0, v7;
	v12 =	vor.u32 s0, v6;
	v29 =	vor.u32 s28, v2;
	[tilespmem:v28+s21+$0x0] =	vst.idx.msk $0xffff, v61;
	v28 =	vld.idx.msk [tilespmem:v14+s16+$0x0], $0xffff  }
.LBB2_4:
0x166: {  	p0 =	slt.u32 s30, $0xC6;
	v34 =	vor.u32 s29, v0;
	v35 =	vor.u32 s29, v1;
	v36 =	vor.u32 s29, v2;
	s0 =	sadd.s32 $0x80, s29;
	[tilespmem:v17+s21+$0x0] =	vst.idx.msk $0xffff, v30;
	v30 =	vld.idx.msk [tilespmem:v20+s16+$0x0], $0xffff;
	v17 =	vmovc v21  }
0x167: {  	v21 =	vor.u32 s29, v3;
	v37 =	vor.u32 s29, v4;
	v38 =	vor.u32 s0, v0;
	v39 =	vld.idx.msk [tilespmem:v18+s16+$0x0], $0xffff;
	[tilespmem:v25+s21+$0x0] =	vst.idx.msk $0xffff, v31  }
0x168: {  	v40 =	vor.u32 s29, v5;
	v25 =	vor.u32 s29, v6;
	v31 =	vor.u32 s29, v7;
	[tilespmem:v22+s21+$0x0] =	vst.idx.msk $0xffff, v32;
	v32 =	vld.idx.msk [tilespmem:v26+s16+$0x0], $0xffff;
	v22 =	vmovc v35  }
0x169: {  	v35 =	vld.idx.msk [tilespmem:v24+s16+$0x0], $0xffff;
	[tilespmem:v27+s21+$0x0] =	vst.idx.msk $0xffff, v33  }
0x16a: {  	v27 =	vld.idx.msk [tilespmem:v29+s16+$0x0], $0xffff;
	[tilespmem:v8+s21+$0x0] =	vst.idx.msk $0xffff, v23;
	v8 =	vmovc v9;
	v9 =	vmov v10;
	v10 =	vmov v11;
	v11 =	vmov v31  }
0x16b: {  	v23 =	vld.idx.msk [tilespmem:v34+s16+$0x0], $0xffff  }
0x16c: {  	v31 =	vld.idx.msk [tilespmem:v38+s16+$0x0], $0xffff  }
0x16d: {  	v28 =	vld.idx.msk [tilespmem:v28+s3+$0x0], $0xffff  }
0x16e: {  	v30 =	vld.idx.msk [tilespmem:v30+s3+$0x0], $0xffff  }
0x16f: {  	v33 =	vld.idx.msk [tilespmem:v39+s3+$0x0], $0xffff  }
0x170: {  	v39 =	vor.u32 s25, v7;
	s25 =	smov.u32 s26;
	s26 =	smov.u32 s28;
	s28 =	smov.u32 s0;
	v32 =	vld.idx.msk [tilespmem:v32+s3+$0x0], $0xffff  }
0x171: {  	v35 =	vld.idx.msk [tilespmem:v35+s3+$0x0], $0xffff  }
0x172: {  	v42 =	vor.u32 s25, v5;
	v41 =	vld.idx.msk [tilespmem:v27+s3+$0x0], $0xffff  }
0x173: {  	v23 =	vld.idx.msk [tilespmem:v23+s3+$0x0], $0xffff;
	[tilespmem:v14+s21+$0x0] =	vst.idx.msk $0xffff, v28;
	v14 =	vmov v12;
	v12 =	vmov v13;
	v13 =	vmov v25  }
0x174: {  	v25 =	vor.u32 s26, v3;
	v28 =	vld.idx.msk [tilespmem:v31+s3+$0x0], $0xffff;
	[tilespmem:v20+s21+$0x0] =	vst.idx.msk $0xffff, v30  }
0x175: {  	[tilespmem:v18+s21+$0x0] =	vst.idx.msk $0xffff, v33;
	v20 =	vld.idx.msk [tilespmem:v39+s16+$0x0], $0xffff;
	v18 =	vmov v19;
	v19 =	vmov v37  }
0x176: {  	v27 =	vor.u32 s28, v1;
	v30 =	vld.idx.msk [tilespmem:v15+s16+$0x0], $0xffff;
	[tilespmem:v26+s21+$0x0] =	vst.idx.msk $0xffff, v32  }
0x177: {  	[tilespmem:v24+s21+$0x0] =	vst.idx.msk $0xffff, v35;
	v26 =	vld.idx.msk [tilespmem:v42+s16+$0x0], $0xffff;
	v24 =	vmov v36  }
0x178: {  	v31 =	vld.idx.msk [tilespmem:v17+s16+$0x0], $0xffff;
	[tilespmem:v29+s21+$0x0] =	vst.idx.msk $0xffff, v41  }
0x179: {  	[tilespmem:v34+s21+$0x0] =	vst.idx.msk $0xffff, v23;
	v23 =	vld.idx.msk [tilespmem:v25+s16+$0x0], $0xffff  }
0x17a: {  	v29 =	vld.idx.msk [tilespmem:v22+s16+$0x0], $0xffff;
	[tilespmem:v38+s21+$0x0] =	vst.idx.msk $0xffff, v28  }
0x17b: {  	v28 =	vld.idx.msk [tilespmem:v27+s16+$0x0], $0xffff  }
0x17c: {  	v34 =	vld.idx.msk [tilespmem:v8+s16+$0x0], $0xffff  }
0x17d: {  	v35 =	vld.idx.msk [tilespmem:v20+s3+$0x0], $0xffff  }
0x17e: {  	v36 =	vld.idx.msk [tilespmem:v30+s3+$0x0], $0xffff  }
0x17f: {  	v37 =	vld.idx.msk [tilespmem:v26+s3+$0x0], $0xffff  }
0x180: {  	v30 =	vld.idx.msk [tilespmem:v31+s3+$0x0], $0xffff  }
.Ltmp1:
0x181: {  	v20 =	vor.u32 s25, v6;
	v31 =	vld.idx.msk [tilespmem:v23+s3+$0x0], $0xffff;
	(pc) =	sbr.rel @p0 .LBB2_4-.Ltmp1, $4  }
0x182: {  	v32 =	vld.idx.msk [tilespmem:v29+s3+$0x0], $0xffff  }
0x183: {  	v26 =	vor.u32 s26, v4;
	v33 =	vld.idx.msk [tilespmem:v28+s3+$0x0], $0xffff;
	[tilespmem:v39+s21+$0x0] =	vst.idx.msk $0xffff, v35  }
0x184: {  	[tilespmem:v15+s21+$0x0] =	vst.idx.msk $0xffff, v36;
	v23 =	vld.idx.msk [tilespmem:v34+s3+$0x0], $0xffff;
	v15 =	vmov v16;
	v16 =	vmov v40  }
0x185: {  	s29 =	sshll.u32 s30, $0x7;
	s30 =	sadd.s32 $0x2, s30;
	v29 =	vor.u32 s28, v2;
	v28 =	vld.idx.msk [tilespmem:v14+s16+$0x0], $0xffff;
	[tilespmem:v42+s21+$0x0] =	vst.idx.msk $0xffff, v37  }
0x186: {  	v35 =	vor.u32 s29, v0;
	_ =	sdelay $0x1  }
0x187: {  	s30 =	sadd.s32 $0x80, s29  }
0x188: {  	v34 =	vor.u32 s30, v0;
	_ =	sdelay $0x1  }
0x189: {  	v37 =	vld.idx.msk [tilespmem:v35+s16+$0x0], $0xffff;
	_ =	sdelay $0x2  }
0x18a: {  	v36 =	vld.idx.msk [tilespmem:v34+s16+$0x0], $0xffff;
	_ =	sdelay $0x4  }
0x18b: {  	v37 =	vld.idx.msk [tilespmem:v37+s3+$0x0], $0xffff  }
0x18c: {  	v39 =	vor.u32 s29, v1;
	_ =	sdelay $0x1  }
0x18d: {  	v36 =	vld.idx.msk [tilespmem:v36+s3+$0x0], $0xffff  }
0x18e: {  	v38 =	vor.u32 s30, v1  }
0x18f: {  	[tilespmem:v35+s21+$0x0] =	vst.idx.msk $0xffff, v37  }
0x190: {  	v35 =	vld.idx.msk [tilespmem:v39+s16+$0x0], $0xffff;
	_ =	sdelay $0x1  }
0x191: {  	[tilespmem:v34+s21+$0x0] =	vst.idx.msk $0xffff, v36  }
0x192: {  	v34 =	vld.idx.msk [tilespmem:v38+s16+$0x0], $0xffff  }
0x193: {  	[tilespmem:v22+s21+$0x0] =	vst.idx.msk $0xffff, v32  }
0x194: {  	[tilespmem:v27+s21+$0x0] =	vst.idx.msk $0xffff, v33;
	v27 =	vld.idx.msk [tilespmem:v24+s16+$0x0], $0xffff;
	_ =	sdelay $0x1  }
0x195: {  	v22 =	vld.idx.msk [tilespmem:v29+s16+$0x0], $0xffff  }
0x196: {  	v35 =	vld.idx.msk [tilespmem:v35+s3+$0x0], $0xffff  }
0x197: {  	v50 =	vor.u32 s29, v2;
	_ =	sdelay $0x1  }
0x198: {  	v34 =	vld.idx.msk [tilespmem:v34+s3+$0x0], $0xffff  }
0x199: {  	v49 =	vor.u32 s30, v2  }
0x19a: {  	v27 =	vld.idx.msk [tilespmem:v27+s3+$0x0], $0xffff;
	[tilespmem:v39+s21+$0x0] =	vst.idx.msk $0xffff, v35  }
0x19b: {  	v52 =	vld.idx.msk [tilespmem:v50+s16+$0x0], $0xffff  }
0x19c: {  	v22 =	vld.idx.msk [tilespmem:v22+s3+$0x0], $0xffff  }
0x19d: {  	v53 =	vor.u32 s28, v3;
	[tilespmem:v38+s21+$0x0] =	vst.idx.msk $0xffff, v34  }
0x19e: {  	v51 =	vld.idx.msk [tilespmem:v49+s16+$0x0], $0xffff;
	_ =	sdelay $0x1  }
0x19f: {  	[tilespmem:v24+s21+$0x0] =	vst.idx.msk $0xffff, v27  }
0x1a0: {  	[tilespmem:v29+s21+$0x0] =	vst.idx.msk $0xffff, v22;
	v24 =	vld.idx.msk [tilespmem:v21+s16+$0x0], $0xffff  }
0x1a1: {  	v22 =	vld.idx.msk [tilespmem:v53+s16+$0x0], $0xffff  }
0x1a2: {  	v33 =	vld.idx.msk [tilespmem:v52+s3+$0x0], $0xffff  }
0x1a3: {  	v55 =	vor.u32 s29, v3;
	_ =	sdelay $0x1  }
0x1a4: {  	[tilespmem:v25+s21+$0x0] =	vst.idx.msk $0xffff, v31;
	v32 =	vld.idx.msk [tilespmem:v51+s3+$0x0], $0xffff  }
0x1a5: {  	[tilespmem:v17+s21+$0x0] =	vst.idx.msk $0xffff, v30;
	v54 =	vor.u32 s30, v3;
	v30 =	vld.idx.msk [tilespmem:v26+s16+$0x0], $0xffff  }
0x1a6: {  	v31 =	vld.idx.msk [tilespmem:v18+s16+$0x0], $0xffff;
	[tilespmem:v50+s21+$0x0] =	vst.idx.msk $0xffff, v33  }
0x1a7: {  	v29 =	vld.idx.msk [tilespmem:v55+s16+$0x0], $0xffff  }
0x1a8: {  	v24 =	vld.idx.msk [tilespmem:v24+s3+$0x0], $0xffff  }
0x1a9: {  	v22 =	vld.idx.msk [tilespmem:v22+s3+$0x0], $0xffff;
	[tilespmem:v49+s21+$0x0] =	vst.idx.msk $0xffff, v32  }
0x1aa: {  	v27 =	vld.idx.msk [tilespmem:v54+s16+$0x0], $0xffff;
	_ =	sdelay $0x1  }
0x1ab: {  	v56 =	vor.u32 s28, v4  }
0x1ac: {  	v30 =	vld.idx.msk [tilespmem:v30+s3+$0x0], $0xffff;
	[tilespmem:v21+s21+$0x0] =	vst.idx.msk $0xffff, v24  }
0x1ad: {  	[tilespmem:v53+s21+$0x0] =	vst.idx.msk $0xffff, v22;
	v22 =	vld.idx.msk [tilespmem:v19+s16+$0x0], $0xffff  }
0x1ae: {  	v25 =	vld.idx.msk [tilespmem:v29+s3+$0x0], $0xffff  }
0x1af: {  	v17 =	vor.u32 s29, v4;
	v31 =	vld.idx.msk [tilespmem:v31+s3+$0x0], $0xffff  }
0x1b0: {  	v57 =	vor.u32 s26, v5;
	v21 =	vld.idx.msk [tilespmem:v56+s16+$0x0], $0xffff  }
0x1b1: {  	v27 =	vld.idx.msk [tilespmem:v27+s3+$0x0], $0xffff  }
0x1b2: {  	v29 =	vor.u32 s30, v4  }
0x1b3: {  	[tilespmem:v55+s21+$0x0] =	vst.idx.msk $0xffff, v25  }
0x1b4: {  	[tilespmem:v26+s21+$0x0] =	vst.idx.msk $0xffff, v30;
	v25 =	vld.idx.msk [tilespmem:v17+s16+$0x0], $0xffff  }
0x1b5: {  	[tilespmem:v18+s21+$0x0] =	vst.idx.msk $0xffff, v31;
	v18 =	vld.idx.msk [tilespmem:v57+s16+$0x0], $0xffff  }
0x1b6: {  	v22 =	vld.idx.msk [tilespmem:v22+s3+$0x0], $0xffff;
	[tilespmem:v54+s21+$0x0] =	vst.idx.msk $0xffff, v27  }
0x1b7: {  	v24 =	vld.idx.msk [tilespmem:v29+s16+$0x0], $0xffff  }
0x1b8: {  	v21 =	vld.idx.msk [tilespmem:v21+s3+$0x0], $0xffff  }
0x1b9: {  	v27 =	vld.idx.msk [tilespmem:v20+s16+$0x0], $0xffff  }
0x1ba: {  	v31 =	vld.idx.msk [tilespmem:v15+s16+$0x0], $0xffff  }
0x1bb: {  	v58 =	vor.u32 s28, v5  }
0x1bc: {  	v25 =	vld.idx.msk [tilespmem:v25+s3+$0x0], $0xffff  }
0x1bd: {  	v18 =	vld.idx.msk [tilespmem:v18+s3+$0x0], $0xffff;
	[tilespmem:v19+s21+$0x0] =	vst.idx.msk $0xffff, v22  }
0x1be: {  	v30 =	vor.u32 s29, v5;
	[tilespmem:v56+s21+$0x0] =	vst.idx.msk $0xffff, v21;
	v21 =	vld.idx.msk [tilespmem:v16+s16+$0x0], $0xffff  }
0x1bf: {  	v24 =	vld.idx.msk [tilespmem:v24+s3+$0x0], $0xffff  }
0x1c0: {  	v26 =	vor.u32 s30, v5;
	v19 =	vld.idx.msk [tilespmem:v58+s16+$0x0], $0xffff  }
0x1c1: {  	[tilespmem:v17+s21+$0x0] =	vst.idx.msk $0xffff, v25;
	v25 =	vld.idx.msk [tilespmem:v27+s3+$0x0], $0xffff  }
0x1c2: {  	v27 =	vld.idx.msk [tilespmem:v31+s3+$0x0], $0xffff  }
0x1c3: {  	v22 =	vld.idx.msk [tilespmem:v30+s16+$0x0], $0xffff  }
0x1c4: {  	[tilespmem:v29+s21+$0x0] =	vst.idx.msk $0xffff, v24;
	v24 =	vld.idx.msk [tilespmem:v28+s3+$0x0], $0xffff;
	v28 =	vor.u32 s26, v6  }
0x1c5: {  	v17 =	vld.idx.msk [tilespmem:v26+s16+$0x0], $0xffff;
	_ =	sdelay $0x1  }
0x1c6: {  	v21 =	vld.idx.msk [tilespmem:v21+s3+$0x0], $0xffff  }
0x1c7: {  	[tilespmem:v57+s21+$0x0] =	vst.idx.msk $0xffff, v18;
	v19 =	vld.idx.msk [tilespmem:v19+s3+$0x0], $0xffff  }
0x1c8: {  	[tilespmem:v15+s21+$0x0] =	vst.idx.msk $0xffff, v27;
	v15 =	vld.idx.msk [tilespmem:v28+s16+$0x0], $0xffff;
	_ =	sdelay $0x1  }
0x1c9: {  	v29 =	vor.u32 s28, v6;
	v59 =	vld.idx.msk [tilespmem:v12+s16+$0x0], $0xffff  }
0x1ca: {  	v18 =	vld.idx.msk [tilespmem:v22+s3+$0x0], $0xffff  }
0x1cb: {  	[tilespmem:v16+s21+$0x0] =	vst.idx.msk $0xffff, v21;
	v31 =	vor.u32 s29, v6;
	v17 =	vld.idx.msk [tilespmem:v17+s3+$0x0], $0xffff  }
0x1cc: {  	[tilespmem:v58+s21+$0x0] =	vst.idx.msk $0xffff, v19;
	v19 =	vld.idx.msk [tilespmem:v13+s16+$0x0], $0xffff;
	v22 =	vor.u32 s30, v6;
	_ =	sdelay $0x1  }
0x1cd: {  	v16 =	vld.idx.msk [tilespmem:v29+s16+$0x0], $0xffff  }
0x1ce: {  	[tilespmem:v30+s21+$0x0] =	vst.idx.msk $0xffff, v18;
	v15 =	vld.idx.msk [tilespmem:v15+s3+$0x0], $0xffff  }
0x1cf: {  	[tilespmem:v26+s21+$0x0] =	vst.idx.msk $0xffff, v17;
	v18 =	vld.idx.msk [tilespmem:v31+s16+$0x0], $0xffff  }
0x1d0: {  	v17 =	vld.idx.msk [tilespmem:v22+s16+$0x0], $0xffff  }
0x1d1: {  	[tilespmem:v14+s21+$0x0] =	vst.idx.msk $0xffff, v24;
	v24 =	vor.u32 s26, v7;
	v21 =	vld.idx.msk [tilespmem:v59+s3+$0x0], $0xffff;
	_ =	sdelay $0x1  }
0x1d2: {  	v19 =	vld.idx.msk [tilespmem:v19+s3+$0x0], $0xffff  }
0x1d3: {  	v27 =	vor.u32 s25, v7;
	[tilespmem:v20+s21+$0x0] =	vst.idx.msk $0xffff, v25;
	v20 =	vld.idx.msk [tilespmem:v9+s16+$0x0], $0xffff  }
0x1d4: {  	v16 =	vld.idx.msk [tilespmem:v16+s3+$0x0], $0xffff;
	[tilespmem:v28+s21+$0x0] =	vst.idx.msk $0xffff, v15  }
0x1d5: {  	v25 =	vor.u32 s28, v7;
	[tilespmem:v12+s21+$0x0] =	vst.idx.msk $0xffff, v21;
	v12 =	vld.idx.msk [tilespmem:v24+s16+$0x0], $0xffff  }
0x1d6: {  	v15 =	vld.idx.msk [tilespmem:v18+s3+$0x0], $0xffff  }
0x1d7: {  	v26 =	vor.u32 s29, v7;
	v17 =	vld.idx.msk [tilespmem:v17+s3+$0x0], $0xffff  }
0x1d8: {  	v14 =	vld.idx.msk [tilespmem:v27+s16+$0x0], $0xffff;
	v18 =	vor.u32 s30, v7  }
0x1d9: {  	[tilespmem:v29+s21+$0x0] =	vst.idx.msk $0xffff, v16;
	v21 =	vld.idx.msk [tilespmem:v10+s16+$0x0], $0xffff  }
0x1da: {  	[tilespmem:v13+s21+$0x0] =	vst.idx.msk $0xffff, v19;
	v13 =	vld.idx.msk [tilespmem:v25+s16+$0x0], $0xffff  }
0x1db: {  	v16 =	vld.idx.msk [tilespmem:v11+s16+$0x0], $0xffff;
	[tilespmem:v31+s21+$0x0] =	vst.idx.msk $0xffff, v15  }
0x1dc: {  	[tilespmem:v22+s21+$0x0] =	vst.idx.msk $0xffff, v17;
	v17 =	vld.idx.msk [tilespmem:v26+s16+$0x0], $0xffff  }
0x1dd: {  	v15 =	vld.idx.msk [tilespmem:v18+s16+$0x0], $0xffff  }
0x1de: {  	v19 =	vld.idx.msk [tilespmem:v20+s3+$0x0], $0xffff  }
0x1df: {  	v12 =	vld.idx.msk [tilespmem:v12+s3+$0x0], $0xffff  }
0x1e0: {  	v14 =	vld.idx.msk [tilespmem:v14+s3+$0x0], $0xffff  }
0x1e1: {  	v20 =	vld.idx.msk [tilespmem:v21+s3+$0x0], $0xffff  }
0x1e2: {  	[tilespmem:v8+s21+$0x0] =	vst.idx.msk $0xffff, v23;
	v8 =	vld.idx.msk [tilespmem:v13+s3+$0x0], $0xffff  }
0x1e3: {  	[tilespmem:v9+s21+$0x0] =	vst.idx.msk $0xffff, v19;
	v13 =	vld.idx.msk [tilespmem:v16+s3+$0x0], $0xffff  }
0x1e4: {  	[tilespmem:v24+s21+$0x0] =	vst.idx.msk $0xffff, v12;
	v12 =	vld.idx.msk [tilespmem:v17+s3+$0x0], $0xffff  }
0x1e5: {  	[tilespmem:v27+s21+$0x0] =	vst.idx.msk $0xffff, v14;
	v9 =	vld.idx.msk [tilespmem:v15+s3+$0x0], $0xffff  }
0x1e6: {  	[tilespmem:v10+s21+$0x0] =	vst.idx.msk $0xffff, v20  }
0x1e7: {  	[tilespmem:v25+s21+$0x0] =	vst.idx.msk $0xffff, v8  }
0x1e8: {  	[tilespmem:v11+s21+$0x0] =	vst.idx.msk $0xffff, v13  }
0x1e9: {  	[tilespmem:v26+s21+$0x0] =	vst.idx.msk $0xffff, v12  }
0x1ea: {  	[tilespmem:v18+s21+$0x0] =	vst.idx.msk $0xffff, v9  }
0x1eb: {  	[tilespmem:s16], [sflag:$0x2] =	stream.strided.gather [hbm4b:s8+s13], $0x6400, s14, s13, $0x38;
	[tilespmem:$0x19080] =	vst v63  }
0x1ec: {  	_ = 	snop  }
0x1ed: {  	[hbm4b:s9+s13] =	stream.strided.scatter [tilespmem:s21], [sflag:$0x4], $0x6400, s14, s13, $0x38;
	[tilespmem:$0x19080] =	vst v63  }
0x1ee: {  	s29 =	simm.s32 $0x0;
	_ =	swait.ge [sflag:s18], $0x6400  }
0x1ef: {  	s31 =	simm.s32 $0x80;
	v8 =	vor.u32 s29, v0;
	[sflag:s18] =	ssyncset.done $0x0  }
0x1f0: {  	v9 =	vor.u32 s31, v0;
	[sflag:s18] =	ssyncadd.s32 $0xFFFF9C00  }
0x1f1: {  	_ =	swait.ge [sflag:s22], $0x6400  }
0x1f2: {  	[sflag:s22] =	ssyncset.done $0x0  }
0x1f3: {  	[sflag:s22] =	ssyncadd.s32 $0xFFFF9C00  }
0x1f4: {  	v10 =	vld.idx.msk [tilespmem:v8+s15+$0x0], $0xffff  }
0x1f5: {  	v11 =	vld.idx.msk [tilespmem:v9+s15+$0x0], $0xffff;
	_ =	sdelay $0x6  }
0x1f6: {  	v10 =	vld.idx.msk [tilespmem:v10+s3+$0x0], $0xffff  }
0x1f7: {  	v12 =	vor.u32 s29, v1;
	v11 =	vld.idx.msk [tilespmem:v11+s3+$0x0], $0xffff  }
0x1f8: {  	v13 =	vor.u32 s31, v1;
	_ =	sdelay $0x2  }
0x1f9: {  	[tilespmem:v8+s19+$0x0] =	vst.idx.msk $0xffff, v10  }
0x1fa: {  	[tilespmem:v9+s19+$0x0] =	vst.idx.msk $0xffff, v11;
	v8 =	vld.idx.msk [tilespmem:v12+s15+$0x0], $0xffff  }
0x1fb: {  	v9 =	vld.idx.msk [tilespmem:v13+s15+$0x0], $0xffff;
	_ =	sdelay $0x5  }
0x1fc: {  	s30 =	simm.s32 $0x100  }
0x1fd: {  	s25 =	simm.s32 $0x180;
	v14 =	vor.u32 s30, v0;
	v8 =	vld.idx.msk [tilespmem:v8+s3+$0x0], $0xffff  }
0x1fe: {  	v15 =	vor.u32 s25, v0;
	v9 =	vld.idx.msk [tilespmem:v9+s3+$0x0], $0xffff  }
0x1ff: {  	v10 =	vor.u32 s29, v2  }
0x200: {  	v11 =	vor.u32 s31, v2;
	_ =	sdelay $0x1  }
0x201: {  	[tilespmem:v12+s19+$0x0] =	vst.idx.msk $0xffff, v8;
	v12 =	vld.idx.msk [tilespmem:v14+s15+$0x0], $0xffff  }
0x202: {  	[tilespmem:v13+s19+$0x0] =	vst.idx.msk $0xffff, v9;
	v13 =	vld.idx.msk [tilespmem:v15+s15+$0x0], $0xffff  }
0x203: {  	v8 =	vld.idx.msk [tilespmem:v10+s15+$0x0], $0xffff  }
0x204: {  	v9 =	vld.idx.msk [tilespmem:v11+s15+$0x0], $0xffff;
	_ =	sdelay $0x4  }
0x205: {  	v12 =	vld.idx.msk [tilespmem:v12+s3+$0x0], $0xffff  }
0x206: {  	v13 =	vld.idx.msk [tilespmem:v13+s3+$0x0], $0xffff  }
0x207: {  	v18 =	vor.u32 s30, v1;
	v8 =	vld.idx.msk [tilespmem:v8+s3+$0x0], $0xffff  }
0x208: {  	v19 =	vor.u32 s25, v1;
	v9 =	vld.idx.msk [tilespmem:v9+s3+$0x0], $0xffff  }
0x209: {  	v16 =	vor.u32 s29, v3  }
0x20a: {  	[tilespmem:v14+s19+$0x0] =	vst.idx.msk $0xffff, v12  }
0x20b: {  	v17 =	vor.u32 s31, v3;
	[tilespmem:v15+s19+$0x0] =	vst.idx.msk $0xffff, v13  }
0x20c: {  	[tilespmem:v10+s19+$0x0] =	vst.idx.msk $0xffff, v8;
	v10 =	vld.idx.msk [tilespmem:v18+s15+$0x0], $0xffff  }
0x20d: {  	[tilespmem:v11+s19+$0x0] =	vst.idx.msk $0xffff, v9;
	v11 =	vld.idx.msk [tilespmem:v19+s15+$0x0], $0xffff  }
0x20e: {  	v8 =	vld.idx.msk [tilespmem:v16+s15+$0x0], $0xffff;
	_ =	sdelay $0x1  }
0x20f: {  	v9 =	vld.idx.msk [tilespmem:v17+s15+$0x0], $0xffff;
	_ =	sdelay $0x3  }
0x210: {  	v10 =	vld.idx.msk [tilespmem:v10+s3+$0x0], $0xffff  }
0x211: {  	v11 =	vld.idx.msk [tilespmem:v11+s3+$0x0], $0xffff  }
0x212: {  	v14 =	vor.u32 s30, v2;
	v8 =	vld.idx.msk [tilespmem:v8+s3+$0x0], $0xffff  }
0x213: {  	v15 =	vor.u32 s25, v2  }
0x214: {  	v12 =	vor.u32 s29, v4;
	v9 =	vld.idx.msk [tilespmem:v9+s3+$0x0], $0xffff  }
0x215: {  	s0 =	simm.s32 $0x200;
	v13 =	vor.u32 s31, v4;
	[tilespmem:v18+s19+$0x0] =	vst.idx.msk $0xffff, v10  }
0x216: {  	s26 =	simm.s32 $0x280;
	v20 =	vor.u32 s0, v0;
	[tilespmem:v19+s19+$0x0] =	vst.idx.msk $0xffff, v11  }
0x217: {  	[tilespmem:v16+s19+$0x0] =	vst.idx.msk $0xffff, v8;
	v8 =	vor.u32 s26, v0;
	v10 =	vld.idx.msk [tilespmem:v14+s15+$0x0], $0xffff  }
0x218: {  	v11 =	vld.idx.msk [tilespmem:v15+s15+$0x0], $0xffff  }
0x219: {  	[tilespmem:v17+s19+$0x0] =	vst.idx.msk $0xffff, v9;
	v16 =	vld.idx.msk [tilespmem:v12+s15+$0x0], $0xffff  }
0x21a: {  	v9 =	vld.idx.msk [tilespmem:v13+s15+$0x0], $0xffff  }
0x21b: {  	v17 =	vld.idx.msk [tilespmem:v20+s15+$0x0], $0xffff  }
0x21c: {  	v18 =	vld.idx.msk [tilespmem:v8+s15+$0x0], $0xffff;
	_ =	sdelay $0x2  }
0x21d: {  	v10 =	vld.idx.msk [tilespmem:v10+s3+$0x0], $0xffff  }
0x21e: {  	v22 =	vor.u32 s30, v3;
	v11 =	vld.idx.msk [tilespmem:v11+s3+$0x0], $0xffff  }
0x21f: {  	v23 =	vor.u32 s25, v3;
	v16 =	vld.idx.msk [tilespmem:v16+s3+$0x0], $0xffff  }
0x220: {  	v19 =	vor.u32 s29, v5;
	v9 =	vld.idx.msk [tilespmem:v9+s3+$0x0], $0xffff  }
0x221: {  	v21 =	vor.u32 s31, v5;
	v17 =	vld.idx.msk [tilespmem:v17+s3+$0x0], $0xffff  }
0x222: {  	v24 =	vor.u32 s0, v1;
	v18 =	vld.idx.msk [tilespmem:v18+s3+$0x0], $0xffff;
	[tilespmem:v14+s19+$0x0] =	vst.idx.msk $0xffff, v10  }
0x223: {  	[tilespmem:v15+s19+$0x0] =	vst.idx.msk $0xffff, v11;
	v10 =	vld.idx.msk [tilespmem:v22+s15+$0x0], $0xffff  }
0x224: {  	[tilespmem:v12+s19+$0x0] =	vst.idx.msk $0xffff, v16;
	v11 =	vld.idx.msk [tilespmem:v23+s15+$0x0], $0xffff  }
0x225: {  	v12 =	vor.u32 s26, v1;
	[tilespmem:v13+s19+$0x0] =	vst.idx.msk $0xffff, v9;
	v16 =	vld.idx.msk [tilespmem:v19+s15+$0x0], $0xffff  }
0x226: {  	[tilespmem:v20+s19+$0x0] =	vst.idx.msk $0xffff, v17;
	v9 =	vld.idx.msk [tilespmem:v21+s15+$0x0], $0xffff  }
0x227: {  	v13 =	vld.idx.msk [tilespmem:v24+s15+$0x0], $0xffff;
	_ =	sdelay $0x1  }
0x228: {  	[tilespmem:v8+s19+$0x0] =	vst.idx.msk $0xffff, v18  }
0x229: {  	v8 =	vld.idx.msk [tilespmem:v12+s15+$0x0], $0xffff  }
0x22a: {  	v10 =	vld.idx.msk [tilespmem:v10+s3+$0x0], $0xffff  }
0x22b: {  	v11 =	vld.idx.msk [tilespmem:v11+s3+$0x0], $0xffff  }
0x22c: {  	v14 =	vld.idx.msk [tilespmem:v16+s3+$0x0], $0xffff  }
0x22d: {  	v18 =	vor.u32 s30, v4;
	v9 =	vld.idx.msk [tilespmem:v9+s3+$0x0], $0xffff  }
0x22e: {  	v20 =	vor.u32 s25, v4;
	v13 =	vld.idx.msk [tilespmem:v13+s3+$0x0], $0xffff  }
0x22f: {  	v26 =	vor.u32 s0, v2;
	[tilespmem:v22+s19+$0x0] =	vst.idx.msk $0xffff, v10  }
0x230: {  	v16 =	vor.u32 s31, v6;
	[tilespmem:v23+s19+$0x0] =	vst.idx.msk $0xffff, v11  }
0x231: {  	v15 =	vor.u32 s29, v6;
	v8 =	vld.idx.msk [tilespmem:v8+s3+$0x0], $0xffff;
	[tilespmem:v19+s19+$0x0] =	vst.idx.msk $0xffff, v14  }
0x232: {  	s2 =	simm.s32 $0x300;
	v14 =	vor.u32 s26, v2;
	[tilespmem:v21+s19+$0x0] =	vst.idx.msk $0xffff, v9;
	v21 =	vld.idx.msk [tilespmem:v18+s15+$0x0], $0xffff  }
0x233: {  	s28 =	simm.s32 $0x380;
	[tilespmem:v24+s19+$0x0] =	vst.idx.msk $0xffff, v13;
	v9 =	vor.u32 s2, v0;
	v11 =	vld.idx.msk [tilespmem:v20+s15+$0x0], $0xffff  }
0x234: {  	v19 =	vor.u32 s28, v0;
	v13 =	vld.idx.msk [tilespmem:v26+s15+$0x0], $0xffff  }
0x235: {  	v10 =	vld.idx.msk [tilespmem:v16+s15+$0x0], $0xffff  }
0x236: {  	v17 =	vld.idx.msk [tilespmem:v15+s15+$0x0], $0xffff;
	[tilespmem:v12+s19+$0x0] =	vst.idx.msk $0xffff, v8  }
0x237: {  	v8 =	vld.idx.msk [tilespmem:v14+s15+$0x0], $0xffff  }
0x238: {  	v12 =	vld.idx.msk [tilespmem:v9+s15+$0x0], $0xffff  }
0x239: {  	v22 =	vld.idx.msk [tilespmem:v19+s15+$0x0], $0xffff  }
0x23a: {  	v21 =	vld.idx.msk [tilespmem:v21+s3+$0x0], $0xffff  }
0x23b: {  	v11 =	vld.idx.msk [tilespmem:v11+s3+$0x0], $0xffff  }
0x23c: {  	v13 =	vld.idx.msk [tilespmem:v13+s3+$0x0], $0xffff  }
0x23d: {  	v29 =	vor.u32 s30, v5;
	v10 =	vld.idx.msk [tilespmem:v10+s3+$0x0], $0xffff  }
0x23e: {  	v60 =	vor.u32 s25, v5;
	v23 =	vld.idx.msk [tilespmem:v17+s3+$0x0], $0xffff  }
0x23f: {  	v17 =	vor.u32 s0, v3;
	v24 =	vld.idx.msk [tilespmem:v8+s3+$0x0], $0xffff  }
0x240: {  	v28 =	vor.u32 s31, v7;
	v12 =	vld.idx.msk [tilespmem:v12+s3+$0x0], $0xffff;
	[tilespmem:v18+s19+$0x0] =	vst.idx.msk $0xffff, v21  }
0x241: {  	v25 =	vor.u32 s26, v3;
	v30 =	vld.idx.msk [tilespmem:v22+s3+$0x0], $0xffff;
	[tilespmem:v20+s19+$0x0] =	vst.idx.msk $0xffff, v11  }
0x242: {  	v22 =	vor.u32 s2, v1;
	[tilespmem:v16+s19+$0x0] =	vst.idx.msk $0xffff, v10;
	v16 =	vld.idx.msk [tilespmem:v29+s15+$0x0], $0xffff  }
0x243: {  	v27 =	vor.u32 s28, v1;
	[tilespmem:v26+s19+$0x0] =	vst.idx.msk $0xffff, v13;
	v11 =	vld.idx.msk [tilespmem:v60+s15+$0x0], $0xffff  }
0x244: {  	v8 =	vor.u32 s29, v7;
	v13 =	vld.idx.msk [tilespmem:v17+s15+$0x0], $0xffff  }
0x245: {  	v10 =	vld.idx.msk [tilespmem:v28+s15+$0x0], $0xffff;
	[tilespmem:v14+s19+$0x0] =	vst.idx.msk $0xffff, v24  }
0x246: {  	[tilespmem:v9+s19+$0x0] =	vst.idx.msk $0xffff, v12;
	v12 =	vld.idx.msk [tilespmem:v25+s15+$0x0], $0xffff  }
0x247: {  	[tilespmem:v19+s19+$0x0] =	vst.idx.msk $0xffff, v30;
	v20 =	vld.idx.msk [tilespmem:v22+s15+$0x0], $0xffff  }
0x248: {  	[tilespmem:v15+s19+$0x0] =	vst.idx.msk $0xffff, v23;
	v23 =	vld.idx.msk [tilespmem:v27+s15+$0x0], $0xffff  }
0x249: {  	v26 =	vld.idx.msk [tilespmem:v8+s15+$0x0], $0xffff  }
0x24a: {  	v62 =	vld.idx.msk [tilespmem:v16+s3+$0x0], $0xffff  }
0x24b: {  	v63 =	vld.idx.msk [tilespmem:v11+s3+$0x0], $0xffff  }
0x24c: {  	v30 =	vld.idx.msk [tilespmem:v13+s3+$0x0], $0xffff  }
0x24d: {  	v61 =	vld.idx.msk [tilespmem:v10+s3+$0x0], $0xffff  }
0x24e: {  	v14 =	vor.u32 s30, v6;
	v31 =	vld.idx.msk [tilespmem:v12+s3+$0x0], $0xffff  }
0x24f: {  	v18 =	vor.u32 s0, v4;
	v32 =	vld.idx.msk [tilespmem:v20+s3+$0x0], $0xffff;
	v20 =	vor.u32 s25, v6  }
0x250: {  	v21 =	vor.u32 s2, v3;
	v15 =	vor.u32 s0, v5;
	v9 =	vor.u32 s30, v7;
	v33 =	vld.idx.msk [tilespmem:v23+s3+$0x0], $0xffff  }
0x251: {  	v24 =	vor.u32 s2, v2;
	v19 =	vor.u32 s2, v4;
	[tilespmem:v29+s19+$0x0] =	vst.idx.msk $0xffff, v62;
	v23 =	vld.idx.msk [tilespmem:v26+s3+$0x0], $0xffff;
	v26 =	vor.u32 s26, v4  }
0x252: {  	v16 =	vor.u32 s2, v5;
	v13 =	vor.u32 s2, v6;
	v11 =	vor.u32 s2, v7;
	[tilespmem:v60+s19+$0x0] =	vst.idx.msk $0xffff, v63  }
0x253: {  	s29 =	simm.s32 $0x400;
	s30 =	simm.s32 $0xA;
	v10 =	vor.u32 s0, v7;
	v12 =	vor.u32 s0, v6;
	v29 =	vor.u32 s28, v2;
	[tilespmem:v28+s19+$0x0] =	vst.idx.msk $0xffff, v61;
	v28 =	vld.idx.msk [tilespmem:v14+s15+$0x0], $0xffff  }
.LBB2_6:
0x254: {  	p0 =	slt.u32 s30, $0xC6;
	v34 =	vor.u32 s29, v0;
	v35 =	vor.u32 s29, v1;
	v36 =	vor.u32 s29, v2;
	s0 =	sadd.s32 $0x80, s29;
	[tilespmem:v17+s19+$0x0] =	vst.idx.msk $0xffff, v30;
	v30 =	vld.idx.msk [tilespmem:v20+s15+$0x0], $0xffff;
	v17 =	vmovc v21  }
0x255: {  	v21 =	vor.u32 s29, v3;
	v37 =	vor.u32 s29, v4;
	v38 =	vor.u32 s0, v0;
	v39 =	vld.idx.msk [tilespmem:v18+s15+$0x0], $0xffff;
	[tilespmem:v25+s19+$0x0] =	vst.idx.msk $0xffff, v31  }
0x256: {  	v40 =	vor.u32 s29, v5;
	v25 =	vor.u32 s29, v6;
	v31 =	vor.u32 s29, v7;
	[tilespmem:v22+s19+$0x0] =	vst.idx.msk $0xffff, v32;
	v32 =	vld.idx.msk [tilespmem:v26+s15+$0x0], $0xffff;
	v22 =	vmovc v35  }
0x257: {  	v35 =	vld.idx.msk [tilespmem:v24+s15+$0x0], $0xffff;
	[tilespmem:v27+s19+$0x0] =	vst.idx.msk $0xffff, v33  }
0x258: {  	v27 =	vld.idx.msk [tilespmem:v29+s15+$0x0], $0xffff;
	[tilespmem:v8+s19+$0x0] =	vst.idx.msk $0xffff, v23;
	v8 =	vmovc v9;
	v9 =	vmov v10;
	v10 =	vmov v11;
	v11 =	vmov v31  }
0x259: {  	v23 =	vld.idx.msk [tilespmem:v34+s15+$0x0], $0xffff  }
0x25a: {  	v31 =	vld.idx.msk [tilespmem:v38+s15+$0x0], $0xffff  }
0x25b: {  	v28 =	vld.idx.msk [tilespmem:v28+s3+$0x0], $0xffff  }
0x25c: {  	v30 =	vld.idx.msk [tilespmem:v30+s3+$0x0], $0xffff  }
0x25d: {  	v33 =	vld.idx.msk [tilespmem:v39+s3+$0x0], $0xffff  }
0x25e: {  	v39 =	vor.u32 s25, v7;
	s25 =	smov.u32 s26;
	s26 =	smov.u32 s28;
	s28 =	smov.u32 s0;
	v32 =	vld.idx.msk [tilespmem:v32+s3+$0x0], $0xffff  }
0x25f: {  	v35 =	vld.idx.msk [tilespmem:v35+s3+$0x0], $0xffff  }
0x260: {  	v42 =	vor.u32 s25, v5;
	v41 =	vld.idx.msk [tilespmem:v27+s3+$0x0], $0xffff  }
0x261: {  	v23 =	vld.idx.msk [tilespmem:v23+s3+$0x0], $0xffff;
	[tilespmem:v14+s19+$0x0] =	vst.idx.msk $0xffff, v28;
	v14 =	vmov v12;
	v12 =	vmov v13;
	v13 =	vmov v25  }
0x262: {  	v25 =	vor.u32 s26, v3;
	v28 =	vld.idx.msk [tilespmem:v31+s3+$0x0], $0xffff;
	[tilespmem:v20+s19+$0x0] =	vst.idx.msk $0xffff, v30  }
0x263: {  	[tilespmem:v18+s19+$0x0] =	vst.idx.msk $0xffff, v33;
	v20 =	vld.idx.msk [tilespmem:v39+s15+$0x0], $0xffff;
	v18 =	vmov v19;
	v19 =	vmov v37  }
0x264: {  	v27 =	vor.u32 s28, v1;
	v30 =	vld.idx.msk [tilespmem:v15+s15+$0x0], $0xffff;
	[tilespmem:v26+s19+$0x0] =	vst.idx.msk $0xffff, v32  }
0x265: {  	[tilespmem:v24+s19+$0x0] =	vst.idx.msk $0xffff, v35;
	v26 =	vld.idx.msk [tilespmem:v42+s15+$0x0], $0xffff;
	v24 =	vmov v36  }
0x266: {  	v31 =	vld.idx.msk [tilespmem:v17+s15+$0x0], $0xffff;
	[tilespmem:v29+s19+$0x0] =	vst.idx.msk $0xffff, v41  }
0x267: {  	[tilespmem:v34+s19+$0x0] =	vst.idx.msk $0xffff, v23;
	v23 =	vld.idx.msk [tilespmem:v25+s15+$0x0], $0xffff  }
0x268: {  	v29 =	vld.idx.msk [tilespmem:v22+s15+$0x0], $0xffff;
	[tilespmem:v38+s19+$0x0] =	vst.idx.msk $0xffff, v28  }
0x269: {  	v28 =	vld.idx.msk [tilespmem:v27+s15+$0x0], $0xffff  }
0x26a: {  	v34 =	vld.idx.msk [tilespmem:v8+s15+$0x0], $0xffff  }
0x26b: {  	v35 =	vld.idx.msk [tilespmem:v20+s3+$0x0], $0xffff  }
0x26c: {  	v36 =	vld.idx.msk [tilespmem:v30+s3+$0x0], $0xffff  }
0x26d: {  	v37 =	vld.idx.msk [tilespmem:v26+s3+$0x0], $0xffff  }
0x26e: {  	v30 =	vld.idx.msk [tilespmem:v31+s3+$0x0], $0xffff  }
.Ltmp2:
0x26f: {  	v20 =	vor.u32 s25, v6;
	v31 =	vld.idx.msk [tilespmem:v23+s3+$0x0], $0xffff;
	(pc) =	sbr.rel @p0 .LBB2_6-.Ltmp2, $4  }
0x270: {  	v32 =	vld.idx.msk [tilespmem:v29+s3+$0x0], $0xffff  }
0x271: {  	v26 =	vor.u32 s26, v4;
	v33 =	vld.idx.msk [tilespmem:v28+s3+$0x0], $0xffff;
	[tilespmem:v39+s19+$0x0] =	vst.idx.msk $0xffff, v35  }
0x272: {  	[tilespmem:v15+s19+$0x0] =	vst.idx.msk $0xffff, v36;
	v23 =	vld.idx.msk [tilespmem:v34+s3+$0x0], $0xffff;
	v15 =	vmov v16;
	v16 =	vmov v40  }
0x273: {  	s29 =	sshll.u32 s30, $0x7;
	s30 =	sadd.s32 $0x2, s30;
	v29 =	vor.u32 s28, v2;
	v28 =	vld.idx.msk [tilespmem:v14+s15+$0x0], $0xffff;
	[tilespmem:v42+s19+$0x0] =	vst.idx.msk $0xffff, v37  }
0x274: {  	v35 =	vor.u32 s29, v0;
	_ =	sdelay $0x1  }
0x275: {  	s30 =	sadd.s32 $0x80, s29  }
0x276: {  	v34 =	vor.u32 s30, v0;
	_ =	sdelay $0x1  }
0x277: {  	v37 =	vld.idx.msk [tilespmem:v35+s15+$0x0], $0xffff;
	_ =	sdelay $0x2  }
0x278: {  	v36 =	vld.idx.msk [tilespmem:v34+s15+$0x0], $0xffff;
	_ =	sdelay $0x4  }
0x279: {  	v37 =	vld.idx.msk [tilespmem:v37+s3+$0x0], $0xffff  }
0x27a: {  	v39 =	vor.u32 s29, v1;
	_ =	sdelay $0x1  }
0x27b: {  	v36 =	vld.idx.msk [tilespmem:v36+s3+$0x0], $0xffff  }
0x27c: {  	v38 =	vor.u32 s30, v1  }
0x27d: {  	[tilespmem:v35+s19+$0x0] =	vst.idx.msk $0xffff, v37  }
0x27e: {  	v35 =	vld.idx.msk [tilespmem:v39+s15+$0x0], $0xffff;
	_ =	sdelay $0x1  }
0x27f: {  	[tilespmem:v34+s19+$0x0] =	vst.idx.msk $0xffff, v36  }
0x280: {  	v34 =	vld.idx.msk [tilespmem:v38+s15+$0x0], $0xffff  }
0x281: {  	[tilespmem:v22+s19+$0x0] =	vst.idx.msk $0xffff, v32  }
0x282: {  	[tilespmem:v27+s19+$0x0] =	vst.idx.msk $0xffff, v33;
	v27 =	vld.idx.msk [tilespmem:v24+s15+$0x0], $0xffff;
	_ =	sdelay $0x1  }
0x283: {  	v22 =	vld.idx.msk [tilespmem:v29+s15+$0x0], $0xffff  }
0x284: {  	v35 =	vld.idx.msk [tilespmem:v35+s3+$0x0], $0xffff  }
0x285: {  	v50 =	vor.u32 s29, v2;
	_ =	sdelay $0x1  }
0x286: {  	v34 =	vld.idx.msk [tilespmem:v34+s3+$0x0], $0xffff  }
0x287: {  	v49 =	vor.u32 s30, v2  }
0x288: {  	v27 =	vld.idx.msk [tilespmem:v27+s3+$0x0], $0xffff;
	[tilespmem:v39+s19+$0x0] =	vst.idx.msk $0xffff, v35  }
0x289: {  	v52 =	vld.idx.msk [tilespmem:v50+s15+$0x0], $0xffff  }
0x28a: {  	v22 =	vld.idx.msk [tilespmem:v22+s3+$0x0], $0xffff  }
0x28b: {  	v53 =	vor.u32 s28, v3;
	[tilespmem:v38+s19+$0x0] =	vst.idx.msk $0xffff, v34  }
0x28c: {  	v51 =	vld.idx.msk [tilespmem:v49+s15+$0x0], $0xffff;
	_ =	sdelay $0x1  }
0x28d: {  	[tilespmem:v24+s19+$0x0] =	vst.idx.msk $0xffff, v27  }
0x28e: {  	[tilespmem:v29+s19+$0x0] =	vst.idx.msk $0xffff, v22;
	v24 =	vld.idx.msk [tilespmem:v21+s15+$0x0], $0xffff  }
0x28f: {  	v22 =	vld.idx.msk [tilespmem:v53+s15+$0x0], $0xffff  }
0x290: {  	v33 =	vld.idx.msk [tilespmem:v52+s3+$0x0], $0xffff  }
0x291: {  	v55 =	vor.u32 s29, v3;
	_ =	sdelay $0x1  }
0x292: {  	[tilespmem:v25+s19+$0x0] =	vst.idx.msk $0xffff, v31;
	v32 =	vld.idx.msk [tilespmem:v51+s3+$0x0], $0xffff  }
0x293: {  	[tilespmem:v17+s19+$0x0] =	vst.idx.msk $0xffff, v30;
	v54 =	vor.u32 s30, v3;
	v30 =	vld.idx.msk [tilespmem:v26+s15+$0x0], $0xffff  }
0x294: {  	v31 =	vld.idx.msk [tilespmem:v18+s15+$0x0], $0xffff;
	[tilespmem:v50+s19+$0x0] =	vst.idx.msk $0xffff, v33  }
0x295: {  	v29 =	vld.idx.msk [tilespmem:v55+s15+$0x0], $0xffff  }
0x296: {  	v24 =	vld.idx.msk [tilespmem:v24+s3+$0x0], $0xffff  }
0x297: {  	v22 =	vld.idx.msk [tilespmem:v22+s3+$0x0], $0xffff;
	[tilespmem:v49+s19+$0x0] =	vst.idx.msk $0xffff, v32  }
0x298: {  	v27 =	vld.idx.msk [tilespmem:v54+s15+$0x0], $0xffff;
	_ =	sdelay $0x1  }
0x299: {  	v56 =	vor.u32 s28, v4  }
0x29a: {  	v30 =	vld.idx.msk [tilespmem:v30+s3+$0x0], $0xffff;
	[tilespmem:v21+s19+$0x0] =	vst.idx.msk $0xffff, v24  }
0x29b: {  	[tilespmem:v53+s19+$0x0] =	vst.idx.msk $0xffff, v22;
	v22 =	vld.idx.msk [tilespmem:v19+s15+$0x0], $0xffff  }
0x29c: {  	v25 =	vld.idx.msk [tilespmem:v29+s3+$0x0], $0xffff  }
0x29d: {  	v17 =	vor.u32 s29, v4;
	v31 =	vld.idx.msk [tilespmem:v31+s3+$0x0], $0xffff  }
0x29e: {  	v57 =	vor.u32 s26, v5;
	v21 =	vld.idx.msk [tilespmem:v56+s15+$0x0], $0xffff  }
0x29f: {  	v27 =	vld.idx.msk [tilespmem:v27+s3+$0x0], $0xffff  }
0x2a0: {  	v29 =	vor.u32 s30, v4  }
0x2a1: {  	[tilespmem:v55+s19+$0x0] =	vst.idx.msk $0xffff, v25  }
0x2a2: {  	[tilespmem:v26+s19+$0x0] =	vst.idx.msk $0xffff, v30;
	v25 =	vld.idx.msk [tilespmem:v17+s15+$0x0], $0xffff  }
0x2a3: {  	[tilespmem:v18+s19+$0x0] =	vst.idx.msk $0xffff, v31;
	v18 =	vld.idx.msk [tilespmem:v57+s15+$0x0], $0xffff  }
0x2a4: {  	v22 =	vld.idx.msk [tilespmem:v22+s3+$0x0], $0xffff;
	[tilespmem:v54+s19+$0x0] =	vst.idx.msk $0xffff, v27  }
0x2a5: {  	v24 =	vld.idx.msk [tilespmem:v29+s15+$0x0], $0xffff  }
0x2a6: {  	v21 =	vld.idx.msk [tilespmem:v21+s3+$0x0], $0xffff  }
0x2a7: {  	v27 =	vld.idx.msk [tilespmem:v20+s15+$0x0], $0xffff  }
0x2a8: {  	v31 =	vld.idx.msk [tilespmem:v15+s15+$0x0], $0xffff  }
0x2a9: {  	v58 =	vor.u32 s28, v5  }
0x2aa: {  	v25 =	vld.idx.msk [tilespmem:v25+s3+$0x0], $0xffff  }
0x2ab: {  	v18 =	vld.idx.msk [tilespmem:v18+s3+$0x0], $0xffff;
	[tilespmem:v19+s19+$0x0] =	vst.idx.msk $0xffff, v22  }
0x2ac: {  	v30 =	vor.u32 s29, v5;
	[tilespmem:v56+s19+$0x0] =	vst.idx.msk $0xffff, v21;
	v21 =	vld.idx.msk [tilespmem:v16+s15+$0x0], $0xffff  }
0x2ad: {  	v24 =	vld.idx.msk [tilespmem:v24+s3+$0x0], $0xffff  }
0x2ae: {  	v26 =	vor.u32 s30, v5;
	v19 =	vld.idx.msk [tilespmem:v58+s15+$0x0], $0xffff  }
0x2af: {  	[tilespmem:v17+s19+$0x0] =	vst.idx.msk $0xffff, v25;
	v25 =	vld.idx.msk [tilespmem:v27+s3+$0x0], $0xffff  }
0x2b0: {  	v27 =	vld.idx.msk [tilespmem:v31+s3+$0x0], $0xffff  }
0x2b1: {  	v22 =	vld.idx.msk [tilespmem:v30+s15+$0x0], $0xffff  }
0x2b2: {  	[tilespmem:v29+s19+$0x0] =	vst.idx.msk $0xffff, v24;
	v24 =	vld.idx.msk [tilespmem:v28+s3+$0x0], $0xffff;
	v28 =	vor.u32 s26, v6  }
0x2b3: {  	v17 =	vld.idx.msk [tilespmem:v26+s15+$0x0], $0xffff;
	_ =	sdelay $0x1  }
0x2b4: {  	v21 =	vld.idx.msk [tilespmem:v21+s3+$0x0], $0xffff  }
0x2b5: {  	[tilespmem:v57+s19+$0x0] =	vst.idx.msk $0xffff, v18;
	v19 =	vld.idx.msk [tilespmem:v19+s3+$0x0], $0xffff  }
0x2b6: {  	[tilespmem:v15+s19+$0x0] =	vst.idx.msk $0xffff, v27;
	v15 =	vld.idx.msk [tilespmem:v28+s15+$0x0], $0xffff;
	_ =	sdelay $0x1  }
0x2b7: {  	v29 =	vor.u32 s28, v6;
	v59 =	vld.idx.msk [tilespmem:v12+s15+$0x0], $0xffff  }
0x2b8: {  	v18 =	vld.idx.msk [tilespmem:v22+s3+$0x0], $0xffff  }
0x2b9: {  	[tilespmem:v16+s19+$0x0] =	vst.idx.msk $0xffff, v21;
	v31 =	vor.u32 s29, v6;
	v17 =	vld.idx.msk [tilespmem:v17+s3+$0x0], $0xffff  }
0x2ba: {  	[tilespmem:v58+s19+$0x0] =	vst.idx.msk $0xffff, v19;
	v19 =	vld.idx.msk [tilespmem:v13+s15+$0x0], $0xffff;
	v22 =	vor.u32 s30, v6;
	_ =	sdelay $0x1  }
0x2bb: {  	v16 =	vld.idx.msk [tilespmem:v29+s15+$0x0], $0xffff  }
0x2bc: {  	[tilespmem:v30+s19+$0x0] =	vst.idx.msk $0xffff, v18;
	v15 =	vld.idx.msk [tilespmem:v15+s3+$0x0], $0xffff  }
0x2bd: {  	[tilespmem:v26+s19+$0x0] =	vst.idx.msk $0xffff, v17;
	v18 =	vld.idx.msk [tilespmem:v31+s15+$0x0], $0xffff  }
0x2be: {  	v17 =	vld.idx.msk [tilespmem:v22+s15+$0x0], $0xffff  }
0x2bf: {  	[tilespmem:v14+s19+$0x0] =	vst.idx.msk $0xffff, v24;
	v24 =	vor.u32 s26, v7;
	v21 =	vld.idx.msk [tilespmem:v59+s3+$0x0], $0xffff;
	_ =	sdelay $0x1  }
0x2c0: {  	v19 =	vld.idx.msk [tilespmem:v19+s3+$0x0], $0xffff  }
0x2c1: {  	v27 =	vor.u32 s25, v7;
	[tilespmem:v20+s19+$0x0] =	vst.idx.msk $0xffff, v25;
	v20 =	vld.idx.msk [tilespmem:v9+s15+$0x0], $0xffff  }
0x2c2: {  	v16 =	vld.idx.msk [tilespmem:v16+s3+$0x0], $0xffff;
	[tilespmem:v28+s19+$0x0] =	vst.idx.msk $0xffff, v15  }
0x2c3: {  	v25 =	vor.u32 s28, v7;
	[tilespmem:v12+s19+$0x0] =	vst.idx.msk $0xffff, v21;
	v12 =	vld.idx.msk [tilespmem:v24+s15+$0x0], $0xffff  }
0x2c4: {  	v15 =	vld.idx.msk [tilespmem:v18+s3+$0x0], $0xffff  }
0x2c5: {  	v26 =	vor.u32 s29, v7;
	v17 =	vld.idx.msk [tilespmem:v17+s3+$0x0], $0xffff  }
0x2c6: {  	v14 =	vld.idx.msk [tilespmem:v27+s15+$0x0], $0xffff;
	v18 =	vor.u32 s30, v7  }
0x2c7: {  	[tilespmem:v29+s19+$0x0] =	vst.idx.msk $0xffff, v16;
	v21 =	vld.idx.msk [tilespmem:v10+s15+$0x0], $0xffff  }
0x2c8: {  	[tilespmem:v13+s19+$0x0] =	vst.idx.msk $0xffff, v19;
	v13 =	vld.idx.msk [tilespmem:v25+s15+$0x0], $0xffff  }
0x2c9: {  	v16 =	vld.idx.msk [tilespmem:v11+s15+$0x0], $0xffff;
	[tilespmem:v31+s19+$0x0] =	vst.idx.msk $0xffff, v15  }
0x2ca: {  	[tilespmem:v22+s19+$0x0] =	vst.idx.msk $0xffff, v17;
	v17 =	vld.idx.msk [tilespmem:v26+s15+$0x0], $0xffff  }
0x2cb: {  	v15 =	vld.idx.msk [tilespmem:v18+s15+$0x0], $0xffff  }
0x2cc: {  	v19 =	vld.idx.msk [tilespmem:v20+s3+$0x0], $0xffff  }
0x2cd: {  	v12 =	vld.idx.msk [tilespmem:v12+s3+$0x0], $0xffff  }
0x2ce: {  	v14 =	vld.idx.msk [tilespmem:v14+s3+$0x0], $0xffff  }
0x2cf: {  	v20 =	vld.idx.msk [tilespmem:v21+s3+$0x0], $0xffff  }
0x2d0: {  	[tilespmem:v8+s19+$0x0] =	vst.idx.msk $0xffff, v23;
	v8 =	vld.idx.msk [tilespmem:v13+s3+$0x0], $0xffff  }
0x2d1: {  	[tilespmem:v9+s19+$0x0] =	vst.idx.msk $0xffff, v19;
	v13 =	vld.idx.msk [tilespmem:v16+s3+$0x0], $0xffff  }
0x2d2: {  	[tilespmem:v24+s19+$0x0] =	vst.idx.msk $0xffff, v12;
	v12 =	vld.idx.msk [tilespmem:v17+s3+$0x0], $0xffff  }
0x2d3: {  	[tilespmem:v27+s19+$0x0] =	vst.idx.msk $0xffff, v14;
	v9 =	vld.idx.msk [tilespmem:v15+s3+$0x0], $0xffff  }
0x2d4: {  	[tilespmem:v10+s19+$0x0] =	vst.idx.msk $0xffff, v20  }
0x2d5: {  	[tilespmem:v25+s19+$0x0] =	vst.idx.msk $0xffff, v8  }
0x2d6: {  	[tilespmem:v11+s19+$0x0] =	vst.idx.msk $0xffff, v13  }
0x2d7: {  	[tilespmem:v26+s19+$0x0] =	vst.idx.msk $0xffff, v12  }
0x2d8: {  	[tilespmem:v18+s19+$0x0] =	vst.idx.msk $0xffff, v9  }
0x2d9: {  	[hbm4b:s10+s13] =	stream.strided.scatter [tilespmem:s19], [sflag:$0x3], $0x6400, s14, s13, $0x38;
	[tilespmem:$0x19080] =	vst v63  }
0x2da: {  	s29 =	simm.s32 $0x0;
	_ =	swait.ge [sflag:s20], $0x6400  }
0x2db: {  	s31 =	simm.s32 $0x80;
	v8 =	vor.u32 s29, v0;
	[sflag:s20] =	ssyncset.done $0x0  }
0x2dc: {  	v9 =	vor.u32 s31, v0;
	[sflag:s20] =	ssyncadd.s32 $0xFFFF9C00  }
0x2dd: {  	_ =	swait.ge [sflag:s23], $0x6400  }
0x2de: {  	[sflag:s23] =	ssyncset.done $0x0  }
0x2df: {  	[sflag:s23] =	ssyncadd.s32 $0xFFFF9C00  }
0x2e0: {  	v10 =	vld.idx.msk [tilespmem:v8+s16+$0x0], $0xffff  }
0x2e1: {  	v11 =	vld.idx.msk [tilespmem:v9+s16+$0x0], $0xffff;
	_ =	sdelay $0x6  }
0x2e2: {  	v10 =	vld.idx.msk [tilespmem:v10+s3+$0x0], $0xffff  }
0x2e3: {  	v12 =	vor.u32 s29, v1;
	v11 =	vld.idx.msk [tilespmem:v11+s3+$0x0], $0xffff  }
0x2e4: {  	v13 =	vor.u32 s31, v1;
	_ =	sdelay $0x2  }
0x2e5: {  	[tilespmem:v8+s21+$0x0] =	vst.idx.msk $0xffff, v10  }
0x2e6: {  	[tilespmem:v9+s21+$0x0] =	vst.idx.msk $0xffff, v11;
	v8 =	vld.idx.msk [tilespmem:v12+s16+$0x0], $0xffff  }
0x2e7: {  	v9 =	vld.idx.msk [tilespmem:v13+s16+$0x0], $0xffff;
	_ =	sdelay $0x5  }
0x2e8: {  	s30 =	simm.s32 $0x100  }
0x2e9: {  	s25 =	simm.s32 $0x180;
	v14 =	vor.u32 s30, v0;
	v8 =	vld.idx.msk [tilespmem:v8+s3+$0x0], $0xffff  }
0x2ea: {  	v15 =	vor.u32 s25, v0;
	v9 =	vld.idx.msk [tilespmem:v9+s3+$0x0], $0xffff  }
0x2eb: {  	v10 =	vor.u32 s29, v2  }
0x2ec: {  	v11 =	vor.u32 s31, v2;
	_ =	sdelay $0x1  }
0x2ed: {  	[tilespmem:v12+s21+$0x0] =	vst.idx.msk $0xffff, v8;
	v12 =	vld.idx.msk [tilespmem:v14+s16+$0x0], $0xffff  }
0x2ee: {  	[tilespmem:v13+s21+$0x0] =	vst.idx.msk $0xffff, v9;
	v13 =	vld.idx.msk [tilespmem:v15+s16+$0x0], $0xffff  }
0x2ef: {  	v8 =	vld.idx.msk [tilespmem:v10+s16+$0x0], $0xffff  }
0x2f0: {  	v9 =	vld.idx.msk [tilespmem:v11+s16+$0x0], $0xffff;
	_ =	sdelay $0x4  }
0x2f1: {  	v12 =	vld.idx.msk [tilespmem:v12+s3+$0x0], $0xffff  }
0x2f2: {  	v13 =	vld.idx.msk [tilespmem:v13+s3+$0x0], $0xffff  }
0x2f3: {  	v18 =	vor.u32 s30, v1;
	v8 =	vld.idx.msk [tilespmem:v8+s3+$0x0], $0xffff  }
0x2f4: {  	v19 =	vor.u32 s25, v1;
	v9 =	vld.idx.msk [tilespmem:v9+s3+$0x0], $0xffff  }
0x2f5: {  	v16 =	vor.u32 s29, v3  }
0x2f6: {  	[tilespmem:v14+s21+$0x0] =	vst.idx.msk $0xffff, v12  }
0x2f7: {  	v17 =	vor.u32 s31, v3;
	[tilespmem:v15+s21+$0x0] =	vst.idx.msk $0xffff, v13  }
0x2f8: {  	[tilespmem:v10+s21+$0x0] =	vst.idx.msk $0xffff, v8;
	v10 =	vld.idx.msk [tilespmem:v18+s16+$0x0], $0xffff  }
0x2f9: {  	[tilespmem:v11+s21+$0x0] =	vst.idx.msk $0xffff, v9;
	v11 =	vld.idx.msk [tilespmem:v19+s16+$0x0], $0xffff  }
0x2fa: {  	v8 =	vld.idx.msk [tilespmem:v16+s16+$0x0], $0xffff;
	_ =	sdelay $0x1  }
0x2fb: {  	v9 =	vld.idx.msk [tilespmem:v17+s16+$0x0], $0xffff;
	_ =	sdelay $0x3  }
0x2fc: {  	v10 =	vld.idx.msk [tilespmem:v10+s3+$0x0], $0xffff  }
0x2fd: {  	v11 =	vld.idx.msk [tilespmem:v11+s3+$0x0], $0xffff  }
0x2fe: {  	v14 =	vor.u32 s30, v2;
	v8 =	vld.idx.msk [tilespmem:v8+s3+$0x0], $0xffff  }
0x2ff: {  	v15 =	vor.u32 s25, v2  }
0x300: {  	v12 =	vor.u32 s29, v4;
	v9 =	vld.idx.msk [tilespmem:v9+s3+$0x0], $0xffff  }
0x301: {  	s0 =	simm.s32 $0x200;
	v13 =	vor.u32 s31, v4;
	[tilespmem:v18+s21+$0x0] =	vst.idx.msk $0xffff, v10  }
0x302: {  	s26 =	simm.s32 $0x280;
	v20 =	vor.u32 s0, v0;
	[tilespmem:v19+s21+$0x0] =	vst.idx.msk $0xffff, v11  }
0x303: {  	[tilespmem:v16+s21+$0x0] =	vst.idx.msk $0xffff, v8;
	v8 =	vor.u32 s26, v0;
	v10 =	vld.idx.msk [tilespmem:v14+s16+$0x0], $0xffff  }
0x304: {  	v11 =	vld.idx.msk [tilespmem:v15+s16+$0x0], $0xffff  }
0x305: {  	[tilespmem:v17+s21+$0x0] =	vst.idx.msk $0xffff, v9;
	v16 =	vld.idx.msk [tilespmem:v12+s16+$0x0], $0xffff  }
0x306: {  	v9 =	vld.idx.msk [tilespmem:v13+s16+$0x0], $0xffff  }
0x307: {  	v17 =	vld.idx.msk [tilespmem:v20+s16+$0x0], $0xffff  }
0x308: {  	v18 =	vld.idx.msk [tilespmem:v8+s16+$0x0], $0xffff;
	_ =	sdelay $0x2  }
0x309: {  	v10 =	vld.idx.msk [tilespmem:v10+s3+$0x0], $0xffff  }
0x30a: {  	v22 =	vor.u32 s30, v3;
	v11 =	vld.idx.msk [tilespmem:v11+s3+$0x0], $0xffff  }
0x30b: {  	v23 =	vor.u32 s25, v3;
	v16 =	vld.idx.msk [tilespmem:v16+s3+$0x0], $0xffff  }
0x30c: {  	v19 =	vor.u32 s29, v5;
	v9 =	vld.idx.msk [tilespmem:v9+s3+$0x0], $0xffff  }
0x30d: {  	v21 =	vor.u32 s31, v5;
	v17 =	vld.idx.msk [tilespmem:v17+s3+$0x0], $0xffff  }
0x30e: {  	v24 =	vor.u32 s0, v1;
	v18 =	vld.idx.msk [tilespmem:v18+s3+$0x0], $0xffff;
	[tilespmem:v14+s21+$0x0] =	vst.idx.msk $0xffff, v10  }
0x30f: {  	[tilespmem:v15+s21+$0x0] =	vst.idx.msk $0xffff, v11;
	v10 =	vld.idx.msk [tilespmem:v22+s16+$0x0], $0xffff  }
0x310: {  	[tilespmem:v12+s21+$0x0] =	vst.idx.msk $0xffff, v16;
	v11 =	vld.idx.msk [tilespmem:v23+s16+$0x0], $0xffff  }
0x311: {  	v12 =	vor.u32 s26, v1;
	[tilespmem:v13+s21+$0x0] =	vst.idx.msk $0xffff, v9;
	v16 =	vld.idx.msk [tilespmem:v19+s16+$0x0], $0xffff  }
0x312: {  	[tilespmem:v20+s21+$0x0] =	vst.idx.msk $0xffff, v17;
	v9 =	vld.idx.msk [tilespmem:v21+s16+$0x0], $0xffff  }
0x313: {  	v13 =	vld.idx.msk [tilespmem:v24+s16+$0x0], $0xffff;
	_ =	sdelay $0x1  }
0x314: {  	[tilespmem:v8+s21+$0x0] =	vst.idx.msk $0xffff, v18  }
0x315: {  	v8 =	vld.idx.msk [tilespmem:v12+s16+$0x0], $0xffff  }
0x316: {  	v10 =	vld.idx.msk [tilespmem:v10+s3+$0x0], $0xffff  }
0x317: {  	v11 =	vld.idx.msk [tilespmem:v11+s3+$0x0], $0xffff  }
0x318: {  	v14 =	vld.idx.msk [tilespmem:v16+s3+$0x0], $0xffff  }
0x319: {  	v18 =	vor.u32 s30, v4;
	v9 =	vld.idx.msk [tilespmem:v9+s3+$0x0], $0xffff  }
0x31a: {  	v20 =	vor.u32 s25, v4;
	v13 =	vld.idx.msk [tilespmem:v13+s3+$0x0], $0xffff  }
0x31b: {  	v26 =	vor.u32 s0, v2;
	[tilespmem:v22+s21+$0x0] =	vst.idx.msk $0xffff, v10  }
0x31c: {  	v16 =	vor.u32 s31, v6;
	[tilespmem:v23+s21+$0x0] =	vst.idx.msk $0xffff, v11  }
0x31d: {  	v15 =	vor.u32 s29, v6;
	v8 =	vld.idx.msk [tilespmem:v8+s3+$0x0], $0xffff;
	[tilespmem:v19+s21+$0x0] =	vst.idx.msk $0xffff, v14  }
0x31e: {  	s2 =	simm.s32 $0x300;
	v14 =	vor.u32 s26, v2;
	[tilespmem:v21+s21+$0x0] =	vst.idx.msk $0xffff, v9;
	v21 =	vld.idx.msk [tilespmem:v18+s16+$0x0], $0xffff  }
0x31f: {  	s28 =	simm.s32 $0x380;
	[tilespmem:v24+s21+$0x0] =	vst.idx.msk $0xffff, v13;
	v9 =	vor.u32 s2, v0;
	v11 =	vld.idx.msk [tilespmem:v20+s16+$0x0], $0xffff  }
0x320: {  	v19 =	vor.u32 s28, v0;
	v13 =	vld.idx.msk [tilespmem:v26+s16+$0x0], $0xffff  }
0x321: {  	v10 =	vld.idx.msk [tilespmem:v16+s16+$0x0], $0xffff  }
0x322: {  	v17 =	vld.idx.msk [tilespmem:v15+s16+$0x0], $0xffff;
	[tilespmem:v12+s21+$0x0] =	vst.idx.msk $0xffff, v8  }
0x323: {  	v8 =	vld.idx.msk [tilespmem:v14+s16+$0x0], $0xffff  }
0x324: {  	v12 =	vld.idx.msk [tilespmem:v9+s16+$0x0], $0xffff  }
0x325: {  	v22 =	vld.idx.msk [tilespmem:v19+s16+$0x0], $0xffff  }
0x326: {  	v21 =	vld.idx.msk [tilespmem:v21+s3+$0x0], $0xffff  }
0x327: {  	v11 =	vld.idx.msk [tilespmem:v11+s3+$0x0], $0xffff  }
0x328: {  	v13 =	vld.idx.msk [tilespmem:v13+s3+$0x0], $0xffff  }
0x329: {  	v29 =	vor.u32 s30, v5;
	v10 =	vld.idx.msk [tilespmem:v10+s3+$0x0], $0xffff  }
0x32a: {  	v60 =	vor.u32 s25, v5;
	v23 =	vld.idx.msk [tilespmem:v17+s3+$0x0], $0xffff  }
0x32b: {  	v17 =	vor.u32 s0, v3;
	v24 =	vld.idx.msk [tilespmem:v8+s3+$0x0], $0xffff  }
0x32c: {  	v28 =	vor.u32 s31, v7;
	v12 =	vld.idx.msk [tilespmem:v12+s3+$0x0], $0xffff;
	[tilespmem:v18+s21+$0x0] =	vst.idx.msk $0xffff, v21  }
0x32d: {  	v25 =	vor.u32 s26, v3;
	v30 =	vld.idx.msk [tilespmem:v22+s3+$0x0], $0xffff;
	[tilespmem:v20+s21+$0x0] =	vst.idx.msk $0xffff, v11  }
0x32e: {  	v22 =	vor.u32 s2, v1;
	[tilespmem:v16+s21+$0x0] =	vst.idx.msk $0xffff, v10;
	v16 =	vld.idx.msk [tilespmem:v29+s16+$0x0], $0xffff  }
0x32f: {  	v27 =	vor.u32 s28, v1;
	[tilespmem:v26+s21+$0x0] =	vst.idx.msk $0xffff, v13;
	v11 =	vld.idx.msk [tilespmem:v60+s16+$0x0], $0xffff  }
0x330: {  	v8 =	vor.u32 s29, v7;
	v13 =	vld.idx.msk [tilespmem:v17+s16+$0x0], $0xffff  }
0x331: {  	v10 =	vld.idx.msk [tilespmem:v28+s16+$0x0], $0xffff;
	[tilespmem:v14+s21+$0x0] =	vst.idx.msk $0xffff, v24  }
0x332: {  	[tilespmem:v9+s21+$0x0] =	vst.idx.msk $0xffff, v12;
	v12 =	vld.idx.msk [tilespmem:v25+s16+$0x0], $0xffff  }
0x333: {  	[tilespmem:v19+s21+$0x0] =	vst.idx.msk $0xffff, v30;
	v20 =	vld.idx.msk [tilespmem:v22+s16+$0x0], $0xffff  }
0x334: {  	[tilespmem:v15+s21+$0x0] =	vst.idx.msk $0xffff, v23;
	v23 =	vld.idx.msk [tilespmem:v27+s16+$0x0], $0xffff  }
0x335: {  	v26 =	vld.idx.msk [tilespmem:v8+s16+$0x0], $0xffff  }
0x336: {  	v62 =	vld.idx.msk [tilespmem:v16+s3+$0x0], $0xffff  }
0x337: {  	v63 =	vld.idx.msk [tilespmem:v11+s3+$0x0], $0xffff  }
0x338: {  	v30 =	vld.idx.msk [tilespmem:v13+s3+$0x0], $0xffff  }
0x339: {  	v61 =	vld.idx.msk [tilespmem:v10+s3+$0x0], $0xffff  }
0x33a: {  	v14 =	vor.u32 s30, v6;
	v31 =	vld.idx.msk [tilespmem:v12+s3+$0x0], $0xffff  }
0x33b: {  	v18 =	vor.u32 s0, v4;
	v32 =	vld.idx.msk [tilespmem:v20+s3+$0x0], $0xffff;
	v20 =	vor.u32 s25, v6  }
0x33c: {  	v21 =	vor.u32 s2, v3;
	v15 =	vor.u32 s0, v5;
	v9 =	vor.u32 s30, v7;
	v33 =	vld.idx.msk [tilespmem:v23+s3+$0x0], $0xffff  }
0x33d: {  	v24 =	vor.u32 s2, v2;
	v19 =	vor.u32 s2, v4;
	[tilespmem:v29+s21+$0x0] =	vst.idx.msk $0xffff, v62;
	v23 =	vld.idx.msk [tilespmem:v26+s3+$0x0], $0xffff;
	v26 =	vor.u32 s26, v4  }
0x33e: {  	v16 =	vor.u32 s2, v5;
	v13 =	vor.u32 s2, v6;
	v11 =	vor.u32 s2, v7;
	[tilespmem:v60+s21+$0x0] =	vst.idx.msk $0xffff, v63  }
0x33f: {  	s29 =	simm.s32 $0x400;
	s30 =	simm.s32 $0xA;
	v10 =	vor.u32 s0, v7;
	v12 =	vor.u32 s0, v6;
	v29 =	vor.u32 s28, v2;
	[tilespmem:v28+s21+$0x0] =	vst.idx.msk $0xffff, v61;
	v28 =	vld.idx.msk [tilespmem:v14+s16+$0x0], $0xffff  }
.LBB2_8:
0x340: {  	p0 =	slt.u32 s30, $0xC6;
	v34 =	vor.u32 s29, v0;
	v35 =	vor.u32 s29, v1;
	v36 =	vor.u32 s29, v2;
	s0 =	sadd.s32 $0x80, s29;
	[tilespmem:v17+s21+$0x0] =	vst.idx.msk $0xffff, v30;
	v30 =	vld.idx.msk [tilespmem:v20+s16+$0x0], $0xffff;
	v17 =	vmovc v21  }
0x341: {  	v21 =	vor.u32 s29, v3;
	v37 =	vor.u32 s29, v4;
	v38 =	vor.u32 s0, v0;
	v39 =	vld.idx.msk [tilespmem:v18+s16+$0x0], $0xffff;
	[tilespmem:v25+s21+$0x0] =	vst.idx.msk $0xffff, v31  }
0x342: {  	v40 =	vor.u32 s29, v5;
	v25 =	vor.u32 s29, v6;
	v31 =	vor.u32 s29, v7;
	[tilespmem:v22+s21+$0x0] =	vst.idx.msk $0xffff, v32;
	v32 =	vld.idx.msk [tilespmem:v26+s16+$0x0], $0xffff;
	v22 =	vmovc v35  }
0x343: {  	v35 =	vld.idx.msk [tilespmem:v24+s16+$0x0], $0xffff;
	[tilespmem:v27+s21+$0x0] =	vst.idx.msk $0xffff, v33  }
0x344: {  	v27 =	vld.idx.msk [tilespmem:v29+s16+$0x0], $0xffff;
	[tilespmem:v8+s21+$0x0] =	vst.idx.msk $0xffff, v23;
	v8 =	vmovc v9;
	v9 =	vmov v10;
	v10 =	vmov v11;
	v11 =	vmov v31  }
0x345: {  	v23 =	vld.idx.msk [tilespmem:v34+s16+$0x0], $0xffff  }
0x346: {  	v31 =	vld.idx.msk [tilespmem:v38+s16+$0x0], $0xffff  }
0x347: {  	v28 =	vld.idx.msk [tilespmem:v28+s3+$0x0], $0xffff  }
0x348: {  	v30 =	vld.idx.msk [tilespmem:v30+s3+$0x0], $0xffff  }
0x349: {  	v33 =	vld.idx.msk [tilespmem:v39+s3+$0x0], $0xffff  }
0x34a: {  	v39 =	vor.u32 s25, v7;
	s25 =	smov.u32 s26;
	s26 =	smov.u32 s28;
	s28 =	smov.u32 s0;
	v32 =	vld.idx.msk [tilespmem:v32+s3+$0x0], $0xffff  }
0x34b: {  	v35 =	vld.idx.msk [tilespmem:v35+s3+$0x0], $0xffff  }
0x34c: {  	v42 =	vor.u32 s25, v5;
	v41 =	vld.idx.msk [tilespmem:v27+s3+$0x0], $0xffff  }
0x34d: {  	v23 =	vld.idx.msk [tilespmem:v23+s3+$0x0], $0xffff;
	[tilespmem:v14+s21+$0x0] =	vst.idx.msk $0xffff, v28;
	v14 =	vmov v12;
	v12 =	vmov v13;
	v13 =	vmov v25  }
0x34e: {  	v25 =	vor.u32 s26, v3;
	v28 =	vld.idx.msk [tilespmem:v31+s3+$0x0], $0xffff;
	[tilespmem:v20+s21+$0x0] =	vst.idx.msk $0xffff, v30  }
0x34f: {  	[tilespmem:v18+s21+$0x0] =	vst.idx.msk $0xffff, v33;
	v20 =	vld.idx.msk [tilespmem:v39+s16+$0x0], $0xffff;
	v18 =	vmov v19;
	v19 =	vmov v37  }
0x350: {  	v27 =	vor.u32 s28, v1;
	v30 =	vld.idx.msk [tilespmem:v15+s16+$0x0], $0xffff;
	[tilespmem:v26+s21+$0x0] =	vst.idx.msk $0xffff, v32  }
0x351: {  	[tilespmem:v24+s21+$0x0] =	vst.idx.msk $0xffff, v35;
	v26 =	vld.idx.msk [tilespmem:v42+s16+$0x0], $0xffff;
	v24 =	vmov v36  }
0x352: {  	v31 =	vld.idx.msk [tilespmem:v17+s16+$0x0], $0xffff;
	[tilespmem:v29+s21+$0x0] =	vst.idx.msk $0xffff, v41  }
0x353: {  	[tilespmem:v34+s21+$0x0] =	vst.idx.msk $0xffff, v23;
	v23 =	vld.idx.msk [tilespmem:v25+s16+$0x0], $0xffff  }
0x354: {  	v29 =	vld.idx.msk [tilespmem:v22+s16+$0x0], $0xffff;
	[tilespmem:v38+s21+$0x0] =	vst.idx.msk $0xffff, v28  }
0x355: {  	v28 =	vld.idx.msk [tilespmem:v27+s16+$0x0], $0xffff  }
0x356: {  	v34 =	vld.idx.msk [tilespmem:v8+s16+$0x0], $0xffff  }
0x357: {  	v35 =	vld.idx.msk [tilespmem:v20+s3+$0x0], $0xffff  }
0x358: {  	v36 =	vld.idx.msk [tilespmem:v30+s3+$0x0], $0xffff  }
0x359: {  	v37 =	vld.idx.msk [tilespmem:v26+s3+$0x0], $0xffff  }
0x35a: {  	v30 =	vld.idx.msk [tilespmem:v31+s3+$0x0], $0xffff  }
.Ltmp3:
0x35b: {  	v20 =	vor.u32 s25, v6;
	v31 =	vld.idx.msk [tilespmem:v23+s3+$0x0], $0xffff;
	(pc) =	sbr.rel @p0 .LBB2_8-.Ltmp3, $4  }
0x35c: {  	v32 =	vld.idx.msk [tilespmem:v29+s3+$0x0], $0xffff  }
0x35d: {  	v26 =	vor.u32 s26, v4;
	v33 =	vld.idx.msk [tilespmem:v28+s3+$0x0], $0xffff;
	[tilespmem:v39+s21+$0x0] =	vst.idx.msk $0xffff, v35  }
0x35e: {  	[tilespmem:v15+s21+$0x0] =	vst.idx.msk $0xffff, v36;
	v23 =	vld.idx.msk [tilespmem:v34+s3+$0x0], $0xffff;
	v15 =	vmov v16;
	v16 =	vmov v40  }
0x35f: {  	s29 =	sshll.u32 s30, $0x7;
	s30 =	sadd.s32 $0x2, s30;
	v29 =	vor.u32 s28, v2;
	v28 =	vld.idx.msk [tilespmem:v14+s16+$0x0], $0xffff;
	[tilespmem:v42+s21+$0x0] =	vst.idx.msk $0xffff, v37  }
0x360: {  	s30 =	sadd.s32 $0x80, s29;
	v35 =	vor.u32 s29, v0  }
0x361: {  	v34 =	vor.u32 s30, v0;
	_ =	sdelay $0x3  }
0x362: {  	v37 =	vld.idx.msk [tilespmem:v35+s16+$0x0], $0xffff  }
0x363: {  	v36 =	vld.idx.msk [tilespmem:v34+s16+$0x0], $0xffff;
	_ =	sdelay $0x6  }
0x364: {  	v37 =	vld.idx.msk [tilespmem:v37+s3+$0x0], $0xffff  }
0x365: {  	v39 =	vor.u32 s29, v1;
	v36 =	vld.idx.msk [tilespmem:v36+s3+$0x0], $0xffff  }
0x366: {  	v38 =	vor.u32 s30, v1;
	_ =	sdelay $0x2  }
0x367: {  	[tilespmem:v35+s21+$0x0] =	vst.idx.msk $0xffff, v37  }
0x368: {  	[tilespmem:v34+s21+$0x0] =	vst.idx.msk $0xffff, v36;
	v35 =	vld.idx.msk [tilespmem:v39+s16+$0x0], $0xffff  }
0x369: {  	v34 =	vld.idx.msk [tilespmem:v38+s16+$0x0], $0xffff;
	_ =	sdelay $0x6  }
0x36a: {  	v35 =	vld.idx.msk [tilespmem:v35+s3+$0x0], $0xffff  }
0x36b: {  	v57 =	vor.u32 s29, v2;
	v34 =	vld.idx.msk [tilespmem:v34+s3+$0x0], $0xffff  }
0x36c: {  	v56 =	vor.u32 s30, v2;
	[tilespmem:v27+s21+$0x0] =	vst.idx.msk $0xffff, v33  }
0x36d: {  	v58 =	vld.idx.msk [tilespmem:v29+s16+$0x0], $0xffff  }
0x36e: {  	[tilespmem:v22+s21+$0x0] =	vst.idx.msk $0xffff, v32  }
0x36f: {  	v59 =	vld.idx.msk [tilespmem:v24+s16+$0x0], $0xffff;
	[tilespmem:v39+s21+$0x0] =	vst.idx.msk $0xffff, v35  }
0x370: {  	[tilespmem:v38+s21+$0x0] =	vst.idx.msk $0xffff, v34;
	v61 =	vld.idx.msk [tilespmem:v57+s16+$0x0], $0xffff  }
0x371: {  	v60 =	vld.idx.msk [tilespmem:v56+s16+$0x0], $0xffff;
	_ =	sdelay $0x3  }
0x372: {  	v22 =	vld.idx.msk [tilespmem:v58+s3+$0x0], $0xffff  }
0x373: {  	v62 =	vor.u32 s28, v3  }
0x374: {  	v27 =	vld.idx.msk [tilespmem:v59+s3+$0x0], $0xffff  }
0x375: {  	v33 =	vld.idx.msk [tilespmem:v61+s3+$0x0], $0xffff  }
0x376: {  	v40 =	vor.u32 s29, v3;
	v32 =	vld.idx.msk [tilespmem:v60+s3+$0x0], $0xffff  }
0x377: {  	v63 =	vor.u32 s30, v3;
	[tilespmem:v29+s21+$0x0] =	vst.idx.msk $0xffff, v22  }
0x378: {  	v22 =	vld.idx.msk [tilespmem:v62+s16+$0x0], $0xffff  }
0x379: {  	[tilespmem:v24+s21+$0x0] =	vst.idx.msk $0xffff, v27  }
0x37a: {  	v24 =	vld.idx.msk [tilespmem:v21+s16+$0x0], $0xffff;
	[tilespmem:v57+s21+$0x0] =	vst.idx.msk $0xffff, v33  }
0x37b: {  	[tilespmem:v56+s21+$0x0] =	vst.idx.msk $0xffff, v32;
	v42 =	vld.idx.msk [tilespmem:v40+s16+$0x0], $0xffff  }
0x37c: {  	v41 =	vld.idx.msk [tilespmem:v63+s16+$0x0], $0xffff;
	_ =	sdelay $0x1  }
0x37d: {  	[tilespmem:v17+s21+$0x0] =	vst.idx.msk $0xffff, v30  }
0x37e: {  	v48 =	vld.idx.msk [tilespmem:v18+s16+$0x0], $0xffff  }
0x37f: {  	[tilespmem:v25+s21+$0x0] =	vst.idx.msk $0xffff, v31;
	v22 =	vld.idx.msk [tilespmem:v22+s3+$0x0], $0xffff  }
0x380: {  	v43 =	vor.u32 s28, v4;
	v47 =	vld.idx.msk [tilespmem:v26+s16+$0x0], $0xffff  }
0x381: {  	v24 =	vld.idx.msk [tilespmem:v24+s3+$0x0], $0xffff  }
0x382: {  	v44 =	vld.idx.msk [tilespmem:v42+s3+$0x0], $0xffff  }
0x383: {  	v46 =	vor.u32 s29, v4;
	v27 =	vld.idx.msk [tilespmem:v41+s3+$0x0], $0xffff  }
0x384: {  	v45 =	vor.u32 s30, v4;
	[tilespmem:v62+s21+$0x0] =	vst.idx.msk $0xffff, v22  }
0x385: {  	v49 =	vld.idx.msk [tilespmem:v43+s16+$0x0], $0xffff  }
0x386: {  	v31 =	vld.idx.msk [tilespmem:v48+s3+$0x0], $0xffff;
	[tilespmem:v21+s21+$0x0] =	vst.idx.msk $0xffff, v24  }
0x387: {  	v50 =	vld.idx.msk [tilespmem:v19+s16+$0x0], $0xffff;
	[tilespmem:v40+s21+$0x0] =	vst.idx.msk $0xffff, v44  }
0x388: {  	[tilespmem:v63+s21+$0x0] =	vst.idx.msk $0xffff, v27;
	v25 =	vld.idx.msk [tilespmem:v46+s16+$0x0], $0xffff  }
0x389: {  	v51 =	vld.idx.msk [tilespmem:v45+s16+$0x0], $0xffff;
	_ =	sdelay $0x1  }
0x38a: {  	v30 =	vld.idx.msk [tilespmem:v47+s3+$0x0], $0xffff;
	[tilespmem:v18+s21+$0x0] =	vst.idx.msk $0xffff, v31  }
0x38b: {  	v31 =	vld.idx.msk [tilespmem:v15+s16+$0x0], $0xffff  }
0x38c: {  	v53 =	vor.u32 s26, v5;
	v21 =	vld.idx.msk [tilespmem:v49+s3+$0x0], $0xffff  }
0x38d: {  	v54 =	vor.u32 s28, v5  }
0x38e: {  	v22 =	vld.idx.msk [tilespmem:v50+s3+$0x0], $0xffff  }
0x38f: {  	v25 =	vld.idx.msk [tilespmem:v25+s3+$0x0], $0xffff  }
0x390: {  	[tilespmem:v26+s21+$0x0] =	vst.idx.msk $0xffff, v30;
	v56 =	vor.u32 s29, v5;
	v24 =	vld.idx.msk [tilespmem:v51+s3+$0x0], $0xffff  }
0x391: {  	v55 =	vor.u32 s30, v5;
	[tilespmem:v43+s21+$0x0] =	vst.idx.msk $0xffff, v21;
	v57 =	vld.idx.msk [tilespmem:v53+s16+$0x0], $0xffff  }
0x392: {  	v58 =	vld.idx.msk [tilespmem:v54+s16+$0x0], $0xffff  }
0x393: {  	v35 =	vld.idx.msk [tilespmem:v31+s3+$0x0], $0xffff;
	[tilespmem:v19+s21+$0x0] =	vst.idx.msk $0xffff, v22  }
0x394: {  	v59 =	vld.idx.msk [tilespmem:v16+s16+$0x0], $0xffff;
	[tilespmem:v46+s21+$0x0] =	vst.idx.msk $0xffff, v25  }
0x395: {  	[tilespmem:v45+s21+$0x0] =	vst.idx.msk $0xffff, v24;
	v61 =	vld.idx.msk [tilespmem:v56+s16+$0x0], $0xffff  }
0x396: {  	v60 =	vld.idx.msk [tilespmem:v55+s16+$0x0], $0xffff  }
0x397: {  	v52 =	vld.idx.msk [tilespmem:v20+s16+$0x0], $0xffff  }
0x398: {  	v62 =	vld.idx.msk [tilespmem:v28+s3+$0x0], $0xffff  }
0x399: {  	v18 =	vld.idx.msk [tilespmem:v57+s3+$0x0], $0xffff  }
0x39a: {  	v36 =	vor.u32 s26, v6;
	[tilespmem:v15+s21+$0x0] =	vst.idx.msk $0xffff, v35;
	v19 =	vld.idx.msk [tilespmem:v58+s3+$0x0], $0xffff  }
0x39b: {  	v37 =	vor.u32 s28, v6;
	v43 =	vld.idx.msk [tilespmem:v12+s16+$0x0], $0xffff  }
0x39c: {  	v21 =	vld.idx.msk [tilespmem:v59+s3+$0x0], $0xffff  }
0x39d: {  	v38 =	vld.idx.msk [tilespmem:v61+s3+$0x0], $0xffff  }
0x39e: {  	[tilespmem:v53+s21+$0x0] =	vst.idx.msk $0xffff, v18;
	v40 =	vor.u32 s29, v6;
	v17 =	vld.idx.msk [tilespmem:v60+s3+$0x0], $0xffff  }
0x39f: {  	v39 =	vor.u32 s30, v6;
	[tilespmem:v54+s21+$0x0] =	vst.idx.msk $0xffff, v19;
	v41 =	vld.idx.msk [tilespmem:v36+s16+$0x0], $0xffff  }
0x3a0: {  	v44 =	vld.idx.msk [tilespmem:v37+s16+$0x0], $0xffff  }
0x3a1: {  	[tilespmem:v16+s21+$0x0] =	vst.idx.msk $0xffff, v21;
	v63 =	vld.idx.msk [tilespmem:v52+s3+$0x0], $0xffff  }
0x3a2: {  	v45 =	vld.idx.msk [tilespmem:v13+s16+$0x0], $0xffff;
	[tilespmem:v56+s21+$0x0] =	vst.idx.msk $0xffff, v38  }
0x3a3: {  	[tilespmem:v55+s21+$0x0] =	vst.idx.msk $0xffff, v17;
	v18 =	vld.idx.msk [tilespmem:v40+s16+$0x0], $0xffff  }
0x3a4: {  	[tilespmem:v14+s21+$0x0] =	vst.idx.msk $0xffff, v62;
	v42 =	vor.u32 s25, v7;
	v17 =	vld.idx.msk [tilespmem:v39+s16+$0x0], $0xffff  }
0x3a5: {  	v47 =	vld.idx.msk [tilespmem:v9+s16+$0x0], $0xffff  }
0x3a6: {  	v48 =	vld.idx.msk [tilespmem:v43+s3+$0x0], $0xffff  }
0x3a7: {  	v15 =	vld.idx.msk [tilespmem:v41+s3+$0x0], $0xffff  }
0x3a8: {  	v49 =	vor.u32 s26, v7;
	[tilespmem:v20+s21+$0x0] =	vst.idx.msk $0xffff, v63;
	v16 =	vld.idx.msk [tilespmem:v44+s3+$0x0], $0xffff  }
0x3a9: {  	v46 =	vld.idx.msk [tilespmem:v42+s16+$0x0], $0xffff  }
0x3aa: {  	v50 =	vor.u32 s28, v7;
	v19 =	vld.idx.msk [tilespmem:v45+s3+$0x0], $0xffff  }
0x3ab: {  	v51 =	vld.idx.msk [tilespmem:v18+s3+$0x0], $0xffff  }
0x3ac: {  	v53 =	vor.u32 s29, v7;
	[tilespmem:v36+s21+$0x0] =	vst.idx.msk $0xffff, v15;
	v17 =	vld.idx.msk [tilespmem:v17+s3+$0x0], $0xffff  }
0x3ad: {  	[tilespmem:v12+s21+$0x0] =	vst.idx.msk $0xffff, v48;
	v52 =	vor.u32 s30, v7;
	v54 =	vld.idx.msk [tilespmem:v49+s16+$0x0], $0xffff  }
0x3ae: {  	v21 =	vld.idx.msk [tilespmem:v10+s16+$0x0], $0xffff;
	[tilespmem:v37+s21+$0x0] =	vst.idx.msk $0xffff, v16  }
0x3af: {  	[tilespmem:v13+s21+$0x0] =	vst.idx.msk $0xffff, v19;
	v55 =	vld.idx.msk [tilespmem:v50+s16+$0x0], $0xffff  }
0x3b0: {  	v56 =	vld.idx.msk [tilespmem:v11+s16+$0x0], $0xffff;
	[tilespmem:v40+s21+$0x0] =	vst.idx.msk $0xffff, v51  }
0x3b1: {  	[tilespmem:v39+s21+$0x0] =	vst.idx.msk $0xffff, v17;
	v58 =	vld.idx.msk [tilespmem:v53+s16+$0x0], $0xffff  }
0x3b2: {  	v57 =	vld.idx.msk [tilespmem:v52+s16+$0x0], $0xffff  }
0x3b3: {  	v59 =	vld.idx.msk [tilespmem:v47+s3+$0x0], $0xffff  }
0x3b4: {  	v14 =	vld.idx.msk [tilespmem:v46+s3+$0x0], $0xffff  }
0x3b5: {  	v12 =	vld.idx.msk [tilespmem:v54+s3+$0x0], $0xffff  }
0x3b6: {  	v60 =	vld.idx.msk [tilespmem:v21+s3+$0x0], $0xffff  }
0x3b7: {  	[tilespmem:v8+s21+$0x0] =	vst.idx.msk $0xffff, v23;
	v8 =	vld.idx.msk [tilespmem:v55+s3+$0x0], $0xffff  }
0x3b8: {  	[tilespmem:v9+s21+$0x0] =	vst.idx.msk $0xffff, v59;
	v61 =	vld.idx.msk [tilespmem:v56+s3+$0x0], $0xffff  }
0x3b9: {  	[tilespmem:v42+s21+$0x0] =	vst.idx.msk $0xffff, v14;
	v63 =	vld.idx.msk [tilespmem:v58+s3+$0x0], $0xffff  }
0x3ba: {  	[tilespmem:v49+s21+$0x0] =	vst.idx.msk $0xffff, v12;
	v62 =	vld.idx.msk [tilespmem:v57+s3+$0x0], $0xffff  }
0x3bb: {  	[tilespmem:v10+s21+$0x0] =	vst.idx.msk $0xffff, v60  }
0x3bc: {  	[tilespmem:v50+s21+$0x0] =	vst.idx.msk $0xffff, v8  }
0x3bd: {  	[tilespmem:v11+s21+$0x0] =	vst.idx.msk $0xffff, v61  }
0x3be: {  	[tilespmem:v53+s21+$0x0] =	vst.idx.msk $0xffff, v63  }
0x3bf: {  	s24 =	sadd.s32 $0x1, s24;
	[tilespmem:v52+s21+$0x0] =	vst.idx.msk $0xffff, v62  }
0x3c0: {  	[hbm4b:s11+s13] =	stream.strided.scatter [tilespmem:s21], [sflag:$0x4], $0x6400, s14, s13, $0x38;
	[tilespmem:$0x19080] =	vst v63  }
0x3c1: {  	p0 =	sne.s32 s24, s12;
	_ =	swait.ge [sflag:s22], $0x6400  }
.Ltmp4:
0x3c2: {  	[sflag:s22] =	ssyncset.done $0x0;
	(pc) =	sbr.rel @p0 .LBB2_1-.Ltmp4, $4  }
0x3c3: {  	[sflag:s22] =	ssyncadd.s32 $0xFFFF9C00  }
0x3c4: {  	_ =	swait.ge [sflag:s23], $0x6400  }
0x3c5: {  	[sflag:s23] =	ssyncset.done $0x0  }
0x3c6: {  	[sflag:s23] =	ssyncadd.s32 $0xFFFF9C00  }
0x3c7: {  	_ =	sfence.sel $0x180000  }
0x3c8: {  	[bflag:$0x0] =	sbarrier.arrive $0xFFFF  }
0x3c9: {  	_ =	strace $0x90000047  }
0x3ca: {  	s0 =	stileid.u32;
	[bflag:$0x2] =	sbarrier.arrive $0xFFFF  }
0x3cb: {  	p0 =	sne.s32 s0, $0x0;
	s0 =	rddreg [dreg:$0x3]  }
0x3cc: {  	s0 =	sadd.s32 @!p0 $0x100000, s0  }
0x3cd: {  	[sflag:s0] =	ssyncadd.tile.s32 @!p0 $0x1;
	_ =	shalt  }
.Lfunc_end2:
_tile_overlayer_lowered:
.L_overlay_start_2:
0x3ce: {  	(tag) =	ssettag $0x2  }
0x3cf: {  	s0 =	rddreg [dreg:$0x0];
	s2 =	stileid.u32  }
0x3d0: {  	s1 =	rddreg [dreg:$0x1];
	p0 =	sne.s32 s2, $0x0  }
0x3d1: {  	s3 =	rddreg [dreg:$0x2];
	[bflag:$0x3] =	sbarrier.arrive $0xFFFF;
	s2 =	simm.s32 @!p0 $0x1C06  }
0x3d2: {  	[timem:s3], [sflag:s2] =	dma.local @!p0 [hbm:s0], s1  }
0x3d3: {  	s0 =	simm.s32 @!p0 $0x6  }
0x3d4: {  	_ =	swait.ge @!p0 [sflag:s0], s1  }
0x3d5: {  	s1 =	ssub.s32 @!p0 $0x0, s1;
	[sflag:s0] =	ssyncset.done @!p0 $0x0  }
0x3d6: {  	[sflag:s0] =	ssyncadd.s32 @!p0 s1  }
0x3d7: {  	[bflag:$0x3] =	sbarrier.arrive $0xFFFF  }
0x3d8: {  	_ =	shalt  }

</sc_bundles>
